<compile_context>
chip_gen: v7x
topology: tpu7x:2x2x1
jax: 0.10.2.dev20260603
libtpu: 0.0.44.dev20260713+nightly
codegen_flags: <defaults>
</compile_context>

<pallas_src>
import jax
import jax.numpy as jnp
from jax import lax
from jax.experimental import pallas as pl
from jax.experimental.pallas import tpu as pltpu
from jax.experimental.pallas import tpu_sc as plsc

NE = 1000000
ED = 64
B = 4096
L = 200

_NC = 2
_NS = 16
_NW = _NC * _NS
_BPW = B // _NW
_BLK = ED * L
_IDXW = _BPW * L
_G0, _G1 = 104, 96


def _emb_body(inp_hbm, table_hbm, out_hbm,
              idx_v, rows_a, rows_b, out_a, out_b,
              sem_ga, sem_gb, sem_wa, sem_wb):
    c = lax.axis_index("c")
    s = lax.axis_index("s")
    wid = s * _NC + c
    b_base = wid * _BPW
    iota_l = lax.iota(jnp.int32, 16) * L

    pltpu.sync_copy(inp_hbm.at[pl.ds(wid * _IDXW, 2 * L)],
                    idx_v.at[pl.ds(0, 2 * L)])

    @plsc.parallel_loop(0, 2 * L, 16, unroll=8)
    def _clamp0(i):
        idx_v[pl.ds(i, 16)] = jnp.clip(idx_v[pl.ds(i, 16)], 0, NE - 1)

    def issue_gather(rows_ref, sem, i):
        pltpu.async_copy(
            table_hbm.at[idx_v.at[pl.ds(i * L, _G0)]],
            rows_ref.at[pl.ds(0, _G0)], sem)
        pltpu.async_copy(
            table_hbm.at[idx_v.at[pl.ds(i * L + _G0, _G1)]],
            rows_ref.at[pl.ds(_G0, _G1)], sem)

    def wait_gather(rows_ref, sem):
        pltpu.make_async_copy(table_hbm.at[pl.ds(0, L)], rows_ref, sem).wait()

    def transpose(rows_ref, out_ref):
        @plsc.parallel_loop(0, L, 1, unroll=8)
        def _t(l):
            for db in range(ED // 16):
                vals = rows_ref[l, pl.ds(db * 16, 16)]
                plsc.store_scatter(
                    out_ref, [iota_l + (db * 16 * L + l)], vals)

    def issue_write(out_ref, sem, b):
        pltpu.async_copy(out_ref, out_hbm.at[pl.ds(b * _BLK, _BLK)], sem)

    def wait_write(out_ref, sem, b):
        pltpu.make_async_copy(
            out_ref, out_hbm.at[pl.ds(b * _BLK, _BLK)], sem).wait()

    issue_gather(rows_a, sem_ga, 0)
    issue_gather(rows_b, sem_gb, 1)

    pltpu.sync_copy(inp_hbm.at[pl.ds(wid * _IDXW + 2 * L, _IDXW - 2 * L)],
                    idx_v.at[pl.ds(2 * L, _IDXW - 2 * L)])

    @plsc.parallel_loop(2 * L, _IDXW, 16, unroll=8)
    def _clamp1(i):
        idx_v[pl.ds(i, 16)] = jnp.clip(idx_v[pl.ds(i, 16)], 0, NE - 1)

    def do_pair(p, carry):
        i0 = 2 * p
        b0 = b_base + i0
        wait_gather(rows_a, sem_ga)

        @pl.when(p > 0)
        def _():
            wait_write(out_a, sem_wa, b0 - 2)

        transpose(rows_a, out_a)
        issue_write(out_a, sem_wa, b0)

        @pl.when(p < _BPW // 2 - 1)
        def _():
            issue_gather(rows_a, sem_ga, i0 + 2)

        wait_gather(rows_b, sem_gb)

        @pl.when(p > 0)
        def _():
            wait_write(out_b, sem_wb, b0 - 1)

        transpose(rows_b, out_b)
        issue_write(out_b, sem_wb, b0 + 1)

        @pl.when(p < _BPW // 2 - 1)
        def _():
            issue_gather(rows_b, sem_gb, i0 + 3)

        return carry

    lax.fori_loop(0, _BPW // 2, do_pair, 0)
    wait_write(out_a, sem_wa, b_base + _BPW - 2)
    wait_write(out_b, sem_wb, b_base + _BPW - 1)


@jax.jit
def _emb_encoder(inp, table):
    mesh = plsc.VectorSubcoreMesh(core_axis_name="c", subcore_axis_name="s")
    out = pl.kernel(
        _emb_body,
        mesh=mesh,
        compiler_params=pltpu.CompilerParams(
            needs_layout_passes=False, use_tc_tiling_on_sc=False),
        out_type=jax.ShapeDtypeStruct((B * _BLK,), jnp.float32),
        scratch_types=[
            pltpu.VMEM((_IDXW,), jnp.int32),
            pltpu.VMEM((L, ED), jnp.float32),
            pltpu.VMEM((L, ED), jnp.float32),
            pltpu.VMEM((_BLK,), jnp.float32),
            pltpu.VMEM((_BLK,), jnp.float32),
            pltpu.SemaphoreType.DMA,
            pltpu.SemaphoreType.DMA,
            pltpu.SemaphoreType.DMA,
            pltpu.SemaphoreType.DMA,
        ],
    )(inp, table)
    return out


def kernel(input, emb_weight):
    inp = input.astype(jnp.int32).reshape(B * L)
    out = _emb_encoder(inp, emb_weight)
    return out.reshape(B, ED, L)

# --- scband reference (transcript-rebuilt; emitter-appended) ---
"""Pipeline reference for scband-simple-emb-encoder-61014305407509 (READ-ONLY COPY).

The authoritative reference and input builder live on the scoring server;
editing this copy changes nothing except your own understanding.
"""

import jax, jax.numpy as jnp
import numpy as np

NE = 1000000
ED = 64
B = 4096
L = 200

def setup_inputs(seed: int = 0) -> dict:
    key = jax.random.key(seed)
    k1, k2 = jax.random.split(key)
    inp = jax.random.randint(k1, (B, L), 0, NE, dtype=jnp.int64)
    emb_weight = jax.random.normal(k2, (NE, ED), dtype=jnp.float32)
    return {"input": inp, "emb_weight": emb_weight}

def reference(input, emb_weight):
    # x = torch.clamp(input, 0, self.ne)
    x = jnp.clip(input, 0, NE)
    # x = self.emb(x)
    x = jnp.take(emb_weight, x, axis=0)  # [B, L, ED]
    # x = x.transpose(1, 2)
    x = jnp.transpose(x, (0, 2, 1))  # [B, ED, L]
    return x

if __name__ == "__main__":
    import jax
    _d = setup_inputs()
    print(jax.jit(kernel)(*tuple(_d.values())))

</pallas_src>

<mosaic_0001>
#map = affine_map<(d0, d1) -> (0)>
#map1 = affine_map<(d0, d1) -> (0, 0)>
module attributes {stable_mosaic.version = 14 : i64} {
  func.func @_emb_body(%arg0: i32, %arg1: i32, %arg2: memref<819200xi32, #tpu.memory_space<hbm>>, %arg3: memref<1000000x64xf32, #tpu.memory_space<hbm>>, %arg4: memref<52428800xf32, #tpu.memory_space<hbm>>, %arg5: memref<25600xi32, #tpu.memory_space<vmem>>, %arg6: memref<200x64xf32, #tpu.memory_space<vmem>>, %arg7: memref<200x64xf32, #tpu.memory_space<vmem>>, %arg8: memref<12800xf32, #tpu.memory_space<vmem>>, %arg9: memref<12800xf32, #tpu.memory_space<vmem>>, %arg10: memref<!tpu.dma_semaphore, #tpu.memory_space<semaphore_mem>>, %arg11: memref<!tpu.dma_semaphore, #tpu.memory_space<semaphore_mem>>, %arg12: memref<!tpu.dma_semaphore, #tpu.memory_space<semaphore_mem>>, %arg13: memref<!tpu.dma_semaphore, #tpu.memory_space<semaphore_mem>>) attributes {dimension_semantics = [#tpu.dimension_semantics<core_parallel>, #tpu.dimension_semantics<subcore_parallel>], iteration_bounds = array<i64: 2, 16>, scalar_prefetch = 0 : i64, scratch_operands = 9 : i64, tpu.core_type = #tpu.core_type<sc_vector_subcore>, window_params = [{transform_indices = #map}, {transform_indices = #map1}, {transform_indices = #map}]} {
    %mul3A = arith.constant 2 : i32
    %mul3A_0 = arith.muli %arg1, %mul3A : i32
    %add3A = arith.addi %mul3A_0, %arg0 : i32
    %mul3A_1 = arith.constant 128 : i32
    %mul3A_2 = arith.muli %add3A, %mul3A_1 : i32
    %iota3A = tpu.iota {dimensions = array<i32: 0>} : vector<16xi32>
    %mul3A_3 = arith.constant 200 : i32
    %mul3A_4 = vector.broadcast %mul3A_3 : i32 to vector<16xi32>
    %mul3A_5 = arith.muli %iota3A, %mul3A_4 : vector<16xi32>
    %mul3A_6 = arith.constant 25600 : i32
    %mul3A_7 = arith.muli %add3A, %mul3A_6 : i32
    "tpu.region"() ({
      %run_scoped3A = tpu.sem_alloc : memref<!tpu.dma_semaphore, #tpu.memory_space<semaphore_mem>>
      %dma_start3A_67 = arith.constant 0 : i32
      %dma_start3A_68 = tpu.memref_slice %arg5[%dma_start3A_67] : memref<25600xi32, #tpu.memory_space<vmem>> -> memref<400xi32, #tpu.memory_space<vmem>>
      %dma_start3A_69 = tpu.memref_slice %arg2[%mul3A_7] : memref<819200xi32, #tpu.memory_space<hbm>> -> memref<400xi32, #tpu.memory_space<hbm>>
      %dma_start3A_70 = arith.constant 0 : i32
      %dma_start3A_71 = tpu.memref_slice %arg5[%dma_start3A_70] : memref<25600xi32, #tpu.memory_space<vmem>> -> memref<400xi32, #tpu.memory_space<vmem>>
      %dma_start3A_72 = tpu.memref_slice %arg2[%mul3A_7] : memref<819200xi32, #tpu.memory_space<hbm>> -> memref<400xi32, #tpu.memory_space<hbm>>
      tpu.enqueue_dma source(%dma_start3A_72 : memref<400xi32, #tpu.memory_space<hbm>>) target(%dma_start3A_71 : memref<400xi32, #tpu.memory_space<vmem>>) target_semaphore(%run_scoped3A : memref<!tpu.dma_semaphore, #tpu.memory_space<semaphore_mem>>)
      %dma_wait3A_73 = arith.constant 0 : i32
      %dma_wait3A_74 = tpu.memref_slice %arg5[%dma_wait3A_73] : memref<25600xi32, #tpu.memory_space<vmem>> -> memref<400xi32, #tpu.memory_space<vmem>>
      %dma_wait3A_75 = tpu.memref_slice %arg2[%mul3A_7] : memref<819200xi32, #tpu.memory_space<hbm>> -> memref<400xi32, #tpu.memory_space<hbm>>
      %dma_wait3A_76 = arith.constant 0 : i32
      %dma_wait3A_77 = tpu.memref_slice %arg5[%dma_wait3A_76] : memref<25600xi32, #tpu.memory_space<vmem>> -> memref<400xi32, #tpu.memory_space<vmem>>
      %dma_wait3A_78 = tpu.memref_slice %arg2[%mul3A_7] : memref<819200xi32, #tpu.memory_space<hbm>> -> memref<400xi32, #tpu.memory_space<hbm>>
      tpu.wait_dma2 semaphore(%run_scoped3A : memref<!tpu.dma_semaphore, #tpu.memory_space<semaphore_mem>>) src(%dma_wait3A_78 : memref<400xi32, #tpu.memory_space<hbm>>) dst(%dma_wait3A_77 : memref<400xi32, #tpu.memory_space<vmem>>)
      tpu.yield
    }) : () -> ()
    %parallel_loop3A = arith.constant 0 : i32
    %parallel_loop3A_8 = arith.constant 400 : i32
    %parallel_loop3A_9 = arith.constant 16 : i32
    scf.for %parallel_loop3A_67 = %parallel_loop3A to %parallel_loop3A_8 step %parallel_loop3A_9  : i32 {
      %parallel_loop3A_68 = arith.index_cast %parallel_loop3A_67 : i32 to index
      %parallel_loop3A_69 = tpu.vector_load %arg5[%parallel_loop3A_68] {strides = array<i32>} : memref<25600xi32, #tpu.memory_space<vmem>>, vector<16xi32>,
      %parallel_loop3A_70 = arith.constant 0 : i32
      %parallel_loop3A_71 = arith.constant 999999 : i32
      %parallel_loop3A_72 = vector.broadcast %parallel_loop3A_70 : i32 to vector<16xi32>
      %parallel_loop3A_73 = arith.maxsi %parallel_loop3A_72, %parallel_loop3A_69 : vector<16xi32>
      %parallel_loop3A_74 = vector.broadcast %parallel_loop3A_71 : i32 to vector<16xi32>
      %parallel_loop3A_75 = arith.minsi %parallel_loop3A_74, %parallel_loop3A_73 : vector<16xi32>
      %parallel_loop3A_76 = arith.index_cast %parallel_loop3A_67 : i32 to index
      %parallel_loop3A_77 = tpu.vector_load %arg5[%parallel_loop3A_76] {strides = array<i32>} : memref<25600xi32, #tpu.memory_space<vmem>>, vector<16xi32>,
      tpu.vector_store %arg5[%parallel_loop3A_76], %parallel_loop3A_75 {strides = array<i32>} : memref<25600xi32, #tpu.memory_space<vmem>>, vector<16xi32>,
    } {sc.loop_unroll_factor = 8 : i64, sc.parallel_access}
    %dma_start3A = arith.constant 0 : i32
    %dma_start3A_10 = arith.constant 0 : i32
    %dma_start3A_11 = tpu.memref_slice %arg6[%dma_start3A, %dma_start3A_10] : memref<200x64xf32, #tpu.memory_space<vmem>> -> memref<104x64xf32, #tpu.memory_space<vmem>>
    %dma_start3A_12 = arith.constant 0 : i32
    %dma_start3A_13 = tpu.memref_slice %arg5[%dma_start3A_12] : memref<25600xi32, #tpu.memory_space<vmem>> -> memref<104xi32, #tpu.memory_space<vmem>>
    %dma_start3A_14 = arith.constant 0 : i32
    %dma_start3A_15 = arith.constant 0 : i32
    %dma_start3A_16 = tpu.memref_slice %arg3[%dma_start3A_14, %dma_start3A_15] : memref<1000000x64xf32, #tpu.memory_space<hbm>> -> memref<1000000x64xf32, #tpu.memory_space<hbm>>
    tpu.enqueue_indirect_dma source(%dma_start3A_16 : memref<1000000x64xf32, #tpu.memory_space<hbm>>) target(%dma_start3A_11 : memref<104x64xf32, #tpu.memory_space<vmem>>) offsets(%dma_start3A_13 : memref<104xi32, #tpu.memory_space<vmem>>) semaphore(%arg10 : memref<!tpu.dma_semaphore, #tpu.memory_space<semaphore_mem>>)
    %dma_start3A_17 = arith.constant 104 : i32
    %dma_start3A_18 = arith.constant 0 : i32
    %dma_start3A_19 = tpu.memref_slice %arg6[%dma_start3A_17, %dma_start3A_18] : memref<200x64xf32, #tpu.memory_space<vmem>> -> memref<96x64xf32, #tpu.memory_space<vmem>>
    %dma_start3A_20 = arith.constant 104 : i32
    %dma_start3A_21 = tpu.memref_slice %arg5[%dma_start3A_20] : memref<25600xi32, #tpu.memory_space<vmem>> -> memref<96xi32, #tpu.memory_space<vmem>>
    %dma_start3A_22 = arith.constant 0 : i32
    %dma_start3A_23 = arith.constant 0 : i32
    %dma_start3A_24 = tpu.memref_slice %arg3[%dma_start3A_22, %dma_start3A_23] : memref<1000000x64xf32, #tpu.memory_space<hbm>> -> memref<1000000x64xf32, #tpu.memory_space<hbm>>
    tpu.enqueue_indirect_dma source(%dma_start3A_24 : memref<1000000x64xf32, #tpu.memory_space<hbm>>) target(%dma_start3A_19 : memref<96x64xf32, #tpu.memory_space<vmem>>) offsets(%dma_start3A_21 : memref<96xi32, #tpu.memory_space<vmem>>) semaphore(%arg10 : memref<!tpu.dma_semaphore, #tpu.memory_space<semaphore_mem>>)
    %dma_start3A_25 = arith.constant 0 : i32
    %dma_start3A_26 = arith.constant 0 : i32
    %dma_start3A_27 = tpu.memref_slice %arg7[%dma_start3A_25, %dma_start3A_26] : memref<200x64xf32, #tpu.memory_space<vmem>> -> memref<104x64xf32, #tpu.memory_space<vmem>>
    %dma_start3A_28 = arith.constant 200 : i32
    %dma_start3A_29 = tpu.memref_slice %arg5[%dma_start3A_28] : memref<25600xi32, #tpu.memory_space<vmem>> -> memref<104xi32, #tpu.memory_space<vmem>>
    %dma_start3A_30 = arith.constant 0 : i32
    %dma_start3A_31 = arith.constant 0 : i32
    %dma_start3A_32 = tpu.memref_slice %arg3[%dma_start3A_30, %dma_start3A_31] : memref<1000000x64xf32, #tpu.memory_space<hbm>> -> memref<1000000x64xf32, #tpu.memory_space<hbm>>
    tpu.enqueue_indirect_dma source(%dma_start3A_32 : memref<1000000x64xf32, #tpu.memory_space<hbm>>) target(%dma_start3A_27 : memref<104x64xf32, #tpu.memory_space<vmem>>) offsets(%dma_start3A_29 : memref<104xi32, #tpu.memory_space<vmem>>) semaphore(%arg11 : memref<!tpu.dma_semaphore, #tpu.memory_space<semaphore_mem>>)
    %dma_start3A_33 = arith.constant 104 : i32
    %dma_start3A_34 = arith.constant 0 : i32
    %dma_start3A_35 = tpu.memref_slice %arg7[%dma_start3A_33, %dma_start3A_34] : memref<200x64xf32, #tpu.memory_space<vmem>> -> memref<96x64xf32, #tpu.memory_space<vmem>>
    %dma_start3A_36 = arith.constant 304 : i32
    %dma_start3A_37 = tpu.memref_slice %arg5[%dma_start3A_36] : memref<25600xi32, #tpu.memory_space<vmem>> -> memref<96xi32, #tpu.memory_space<vmem>>
    %dma_start3A_38 = arith.constant 0 : i32
    %dma_start3A_39 = arith.constant 0 : i32
    %dma_start3A_40 = tpu.memref_slice %arg3[%dma_start3A_38, %dma_start3A_39] : memref<1000000x64xf32, #tpu.memory_space<hbm>> -> memref<1000000x64xf32, #tpu.memory_space<hbm>>
    tpu.enqueue_indirect_dma source(%dma_start3A_40 : memref<1000000x64xf32, #tpu.memory_space<hbm>>) target(%dma_start3A_35 : memref<96x64xf32, #tpu.memory_space<vmem>>) offsets(%dma_start3A_37 : memref<96xi32, #tpu.memory_space<vmem>>) semaphore(%arg11 : memref<!tpu.dma_semaphore, #tpu.memory_space<semaphore_mem>>)
    %mul3A_41 = arith.constant 25600 : i32
    %mul3A_42 = arith.muli %add3A, %mul3A_41 : i32
    %add3A_43 = arith.constant 400 : i32
    %add3A_44 = arith.addi %mul3A_42, %add3A_43 : i32
    "tpu.region"() ({
      %run_scoped3A = tpu.sem_alloc : memref<!tpu.dma_semaphore, #tpu.memory_space<semaphore_mem>>
      %dma_start3A_67 = arith.constant 400 : i32
      %dma_start3A_68 = tpu.memref_slice %arg5[%dma_start3A_67] : memref<25600xi32, #tpu.memory_space<vmem>> -> memref<25200xi32, #tpu.memory_space<vmem>>
      %dma_start3A_69 = tpu.memref_slice %arg2[%add3A_44] : memref<819200xi32, #tpu.memory_space<hbm>> -> memref<25200xi32, #tpu.memory_space<hbm>>
      %dma_start3A_70 = arith.constant 400 : i32
      %dma_start3A_71 = tpu.memref_slice %arg5[%dma_start3A_70] : memref<25600xi32, #tpu.memory_space<vmem>> -> memref<25200xi32, #tpu.memory_space<vmem>>
      %dma_start3A_72 = tpu.memref_slice %arg2[%add3A_44] : memref<819200xi32, #tpu.memory_space<hbm>> -> memref<25200xi32, #tpu.memory_space<hbm>>
      tpu.enqueue_dma source(%dma_start3A_72 : memref<25200xi32, #tpu.memory_space<hbm>>) target(%dma_start3A_71 : memref<25200xi32, #tpu.memory_space<vmem>>) target_semaphore(%run_scoped3A : memref<!tpu.dma_semaphore, #tpu.memory_space<semaphore_mem>>)
      %dma_wait3A_73 = arith.constant 400 : i32
      %dma_wait3A_74 = tpu.memref_slice %arg5[%dma_wait3A_73] : memref<25600xi32, #tpu.memory_space<vmem>> -> memref<25200xi32, #tpu.memory_space<vmem>>
      %dma_wait3A_75 = tpu.memref_slice %arg2[%add3A_44] : memref<819200xi32, #tpu.memory_space<hbm>> -> memref<25200xi32, #tpu.memory_space<hbm>>
      %dma_wait3A_76 = arith.constant 400 : i32
      %dma_wait3A_77 = tpu.memref_slice %arg5[%dma_wait3A_76] : memref<25600xi32, #tpu.memory_space<vmem>> -> memref<25200xi32, #tpu.memory_space<vmem>>
      %dma_wait3A_78 = tpu.memref_slice %arg2[%add3A_44] : memref<819200xi32, #tpu.memory_space<hbm>> -> memref<25200xi32, #tpu.memory_space<hbm>>
      tpu.wait_dma2 semaphore(%run_scoped3A : memref<!tpu.dma_semaphore, #tpu.memory_space<semaphore_mem>>) src(%dma_wait3A_78 : memref<25200xi32, #tpu.memory_space<hbm>>) dst(%dma_wait3A_77 : memref<25200xi32, #tpu.memory_space<vmem>>)
      tpu.yield
    }) : () -> ()
    %parallel_loop3A_45 = arith.constant 400 : i32
    %parallel_loop3A_46 = arith.constant 25600 : i32
    %parallel_loop3A_47 = arith.constant 16 : i32
    scf.for %parallel_loop3A_67 = %parallel_loop3A_45 to %parallel_loop3A_46 step %parallel_loop3A_47  : i32 {
      %parallel_loop3A_68 = arith.index_cast %parallel_loop3A_67 : i32 to index
      %parallel_loop3A_69 = tpu.vector_load %arg5[%parallel_loop3A_68] {strides = array<i32>} : memref<25600xi32, #tpu.memory_space<vmem>>, vector<16xi32>,
      %parallel_loop3A_70 = arith.constant 0 : i32
      %parallel_loop3A_71 = arith.constant 999999 : i32
      %parallel_loop3A_72 = vector.broadcast %parallel_loop3A_70 : i32 to vector<16xi32>
      %parallel_loop3A_73 = arith.maxsi %parallel_loop3A_72, %parallel_loop3A_69 : vector<16xi32>
      %parallel_loop3A_74 = vector.broadcast %parallel_loop3A_71 : i32 to vector<16xi32>
      %parallel_loop3A_75 = arith.minsi %parallel_loop3A_74, %parallel_loop3A_73 : vector<16xi32>
      %parallel_loop3A_76 = arith.index_cast %parallel_loop3A_67 : i32 to index
      %parallel_loop3A_77 = tpu.vector_load %arg5[%parallel_loop3A_76] {strides = array<i32>} : memref<25600xi32, #tpu.memory_space<vmem>>, vector<16xi32>,
      tpu.vector_store %arg5[%parallel_loop3A_76], %parallel_loop3A_75 {strides = array<i32>} : memref<25600xi32, #tpu.memory_space<vmem>>, vector<16xi32>,
    } {sc.loop_unroll_factor = 8 : i64, sc.parallel_access}
    %scan3A = arith.constant 0 : i32
    %scan3A_48 = arith.constant 0 : i32
    %scan3A_49 = arith.constant 64 : i32
    %scan3A_50 = arith.addi %scan3A_48, %scan3A_49 : i32
    %scan3A_51 = arith.constant 1 : i32
    scf.for %scan3A_67 = %scan3A_48 to %scan3A_50 step %scan3A_51  : i32 {
      %mul3A_68 = arith.constant 2 : i32
      %mul3A_69 = arith.muli %mul3A_68, %scan3A_67 : i32
      %add3A_70 = arith.addi %mul3A_2, %mul3A_69 : i32
      %dma_wait3A_71 = arith.constant 0 : i32
      %dma_wait3A_72 = arith.constant 0 : i32
      %dma_wait3A_73 = tpu.memref_slice %arg3[%dma_wait3A_71, %dma_wait3A_72] : memref<1000000x64xf32, #tpu.memory_space<hbm>> -> memref<200x64xf32, #tpu.memory_space<hbm>>
      %dma_wait3A_74 = arith.constant 0 : i32
      %dma_wait3A_75 = arith.constant 0 : i32
      %dma_wait3A_76 = tpu.memref_slice %arg3[%dma_wait3A_74, %dma_wait3A_75] : memref<1000000x64xf32, #tpu.memory_space<hbm>> -> memref<200x64xf32, #tpu.memory_space<hbm>>
      tpu.wait_dma2 semaphore(%arg10 : memref<!tpu.dma_semaphore, #tpu.memory_space<semaphore_mem>>) src(%dma_wait3A_76 : memref<200x64xf32, #tpu.memory_space<hbm>>) dst(%arg6 : memref<200x64xf32, #tpu.memory_space<vmem>>)
      %gt3A = arith.constant 0 : i32
      %gt3A_77 = arith.cmpi sgt, %scan3A_67, %gt3A : i32
      %convert_element_type3A = arith.extui %gt3A_77 : i1 to i32
      %cond3A = arith.constant 0 : i32
      %cond3A_78 = arith.cmpi ne, %convert_element_type3A, %cond3A : i32
      scf.if %cond3A_78 {
        %sub3A_115 = arith.constant 2 : i32
        %sub3A_116 = arith.subi %add3A_70, %sub3A_115 : i32
        %mul3A_117 = arith.constant 12800 : i32
        %mul3A_118 = arith.muli %sub3A_116, %mul3A_117 : i32
        %dma_wait3A_119 = tpu.memref_slice %arg4[%mul3A_118] : memref<52428800xf32, #tpu.memory_space<hbm>> -> memref<12800xf32, #tpu.memory_space<hbm>>
        %dma_wait3A_120 = tpu.memref_slice %arg4[%mul3A_118] : memref<52428800xf32, #tpu.memory_space<hbm>> -> memref<12800xf32, #tpu.memory_space<hbm>>
        tpu.wait_dma2 semaphore(%arg12 : memref<!tpu.dma_semaphore, #tpu.memory_space<semaphore_mem>>) src(%arg8 : memref<12800xf32, #tpu.memory_space<vmem>>) dst(%dma_wait3A_120 : memref<12800xf32, #tpu.memory_space<hbm>>)
      } else {
      }
      %parallel_loop3A_79 = arith.constant 0 : i32
      %parallel_loop3A_80 = arith.constant 200 : i32
      %parallel_loop3A_81 = arith.constant 1 : i32
      scf.for %parallel_loop3A_115 = %parallel_loop3A_79 to %parallel_loop3A_80 step %parallel_loop3A_81  : i32 {
        %parallel_loop3A_116 = arith.index_cast %parallel_loop3A_115 : i32 to index
        %parallel_loop3A_117 = arith.constant 0 : index
        %parallel_loop3A_118 = tpu.vector_load %arg6[%parallel_loop3A_116, %parallel_loop3A_117] {strides = array<i32>} : memref<200x64xf32, #tpu.memory_space<vmem>>, vector<16xf32>,
        %parallel_loop3A_119 = arith.constant 0 : i32
        %parallel_loop3A_120 = arith.addi %parallel_loop3A_119, %parallel_loop3A_115 : i32
        %parallel_loop3A_121 = vector.broadcast %parallel_loop3A_120 : i32 to vector<16xi32>
        %parallel_loop3A_122 = arith.addi %mul3A_5, %parallel_loop3A_121 : vector<16xi32>
        tpu.vector_store_idx %arg8[%parallel_loop3A_122], %parallel_loop3A_118 : memref<12800xf32, #tpu.memory_space<vmem>>[vector<16xi32>], vector<16xf32>,
        %parallel_loop3A_123 = arith.index_cast %parallel_loop3A_115 : i32 to index
        %parallel_loop3A_124 = arith.constant 16 : index
        %parallel_loop3A_125 = tpu.vector_load %arg6[%parallel_loop3A_123, %parallel_loop3A_124] {strides = array<i32>} : memref<200x64xf32, #tpu.memory_space<vmem>>, vector<16xf32>,
        %parallel_loop3A_126 = arith.constant 3200 : i32
        %parallel_loop3A_127 = arith.addi %parallel_loop3A_126, %parallel_loop3A_115 : i32
        %parallel_loop3A_128 = vector.broadcast %parallel_loop3A_127 : i32 to vector<16xi32>
        %parallel_loop3A_129 = arith.addi %mul3A_5, %parallel_loop3A_128 : vector<16xi32>
        tpu.vector_store_idx %arg8[%parallel_loop3A_129], %parallel_loop3A_125 : memref<12800xf32, #tpu.memory_space<vmem>>[vector<16xi32>], vector<16xf32>,
        %parallel_loop3A_130 = arith.index_cast %parallel_loop3A_115 : i32 to index
        %parallel_loop3A_131 = arith.constant 32 : index
        %parallel_loop3A_132 = tpu.vector_load %arg6[%parallel_loop3A_130, %parallel_loop3A_131] {strides = array<i32>} : memref<200x64xf32, #tpu.memory_space<vmem>>, vector<16xf32>,
        %parallel_loop3A_133 = arith.constant 6400 : i32
        %parallel_loop3A_134 = arith.addi %parallel_loop3A_133, %parallel_loop3A_115 : i32
        %parallel_loop3A_135 = vector.broadcast %parallel_loop3A_134 : i32 to vector<16xi32>
        %parallel_loop3A_136 = arith.addi %mul3A_5, %parallel_loop3A_135 : vector<16xi32>
        tpu.vector_store_idx %arg8[%parallel_loop3A_136], %parallel_loop3A_132 : memref<12800xf32, #tpu.memory_space<vmem>>[vector<16xi32>], vector<16xf32>,
        %parallel_loop3A_137 = arith.index_cast %parallel_loop3A_115 : i32 to index
        %parallel_loop3A_138 = arith.constant 48 : index
        %parallel_loop3A_139 = tpu.vector_load %arg6[%parallel_loop3A_137, %parallel_loop3A_138] {strides = array<i32>} : memref<200x64xf32, #tpu.memory_space<vmem>>, vector<16xf32>,
        %parallel_loop3A_140 = arith.constant 9600 : i32
        %parallel_loop3A_141 = arith.addi %parallel_loop3A_140, %parallel_loop3A_115 : i32
        %parallel_loop3A_142 = vector.broadcast %parallel_loop3A_141 : i32 to vector<16xi32>
        %parallel_loop3A_143 = arith.addi %mul3A_5, %parallel_loop3A_142 : vector<16xi32>
        tpu.vector_store_idx %arg8[%parallel_loop3A_143], %parallel_loop3A_139 : memref<12800xf32, #tpu.memory_space<vmem>>[vector<16xi32>], vector<16xf32>,
      } {sc.loop_unroll_factor = 8 : i64, sc.parallel_access}
      %mul3A_82 = arith.constant 12800 : i32
      %mul3A_83 = arith.muli %add3A_70, %mul3A_82 : i32
      %dma_start3A_84 = tpu.memref_slice %arg4[%mul3A_83] : memref<52428800xf32, #tpu.memory_space<hbm>> -> memref<12800xf32, #tpu.memory_space<hbm>>
      %dma_start3A_85 = tpu.memref_slice %arg4[%mul3A_83] : memref<52428800xf32, #tpu.memory_space<hbm>> -> memref<12800xf32, #tpu.memory_space<hbm>>
      tpu.enqueue_dma source(%arg8 : memref<12800xf32, #tpu.memory_space<vmem>>) target(%dma_start3A_85 : memref<12800xf32, #tpu.memory_space<hbm>>) target_semaphore(%arg12 : memref<!tpu.dma_semaphore, #tpu.memory_space<semaphore_mem>>)
      %lt3A = arith.constant 63 : i32
      %lt3A_86 = arith.cmpi slt, %scan3A_67, %lt3A : i32
      %convert_element_type3A_87 = arith.extui %lt3A_86 : i1 to i32
      %cond3A_88 = arith.constant 0 : i32
      %cond3A_89 = arith.cmpi ne, %convert_element_type3A_87, %cond3A_88 : i32
      scf.if %cond3A_89 {
        %add3A_115 = arith.constant 2 : i32
        %add3A_116 = arith.addi %mul3A_69, %add3A_115 : i32
        %mul3A_117 = arith.constant 200 : i32
        %mul3A_118 = arith.muli %add3A_116, %mul3A_117 : i32
        %dma_start3A_119 = arith.constant 0 : i32
        %dma_start3A_120 = arith.constant 0 : i32
        %dma_start3A_121 = tpu.memref_slice %arg6[%dma_start3A_119, %dma_start3A_120] : memref<200x64xf32, #tpu.memory_space<vmem>> -> memref<104x64xf32, #tpu.memory_space<vmem>>
        %dma_start3A_122 = tpu.memref_slice %arg5[%mul3A_118] : memref<25600xi32, #tpu.memory_space<vmem>> -> memref<104xi32, #tpu.memory_space<vmem>>
        %dma_start3A_123 = arith.constant 0 : i32
        %dma_start3A_124 = arith.constant 0 : i32
        %dma_start3A_125 = tpu.memref_slice %arg3[%dma_start3A_123, %dma_start3A_124] : memref<1000000x64xf32, #tpu.memory_space<hbm>> -> memref<1000000x64xf32, #tpu.memory_space<hbm>>
        tpu.enqueue_indirect_dma source(%dma_start3A_125 : memref<1000000x64xf32, #tpu.memory_space<hbm>>) target(%dma_start3A_121 : memref<104x64xf32, #tpu.memory_space<vmem>>) offsets(%dma_start3A_122 : memref<104xi32, #tpu.memory_space<vmem>>) semaphore(%arg10 : memref<!tpu.dma_semaphore, #tpu.memory_space<semaphore_mem>>)
        %mul3A_126 = arith.constant 200 : i32
        %mul3A_127 = arith.muli %add3A_116, %mul3A_126 : i32
        %add3A_128 = arith.constant 104 : i32
        %add3A_129 = arith.addi %mul3A_127, %add3A_128 : i32
        %dma_start3A_130 = arith.constant 104 : i32
        %dma_start3A_131 = arith.constant 0 : i32
        %dma_start3A_132 = tpu.memref_slice %arg6[%dma_start3A_130, %dma_start3A_131] : memref<200x64xf32, #tpu.memory_space<vmem>> -> memref<96x64xf32, #tpu.memory_space<vmem>>
        %dma_start3A_133 = tpu.memref_slice %arg5[%add3A_129] : memref<25600xi32, #tpu.memory_space<vmem>> -> memref<96xi32, #tpu.memory_space<vmem>>
        %dma_start3A_134 = arith.constant 0 : i32
        %dma_start3A_135 = arith.constant 0 : i32
        %dma_start3A_136 = tpu.memref_slice %arg3[%dma_start3A_134, %dma_start3A_135] : memref<1000000x64xf32, #tpu.memory_space<hbm>> -> memref<1000000x64xf32, #tpu.memory_space<hbm>>
        tpu.enqueue_indirect_dma source(%dma_start3A_136 : memref<1000000x64xf32, #tpu.memory_space<hbm>>) target(%dma_start3A_132 : memref<96x64xf32, #tpu.memory_space<vmem>>) offsets(%dma_start3A_133 : memref<96xi32, #tpu.memory_space<vmem>>) semaphore(%arg10 : memref<!tpu.dma_semaphore, #tpu.memory_space<semaphore_mem>>)
      } else {
      }
      %dma_wait3A_90 = arith.constant 0 : i32
      %dma_wait3A_91 = arith.constant 0 : i32
      %dma_wait3A_92 = tpu.memref_slice %arg3[%dma_wait3A_90, %dma_wait3A_91] : memref<1000000x64xf32, #tpu.memory_space<hbm>> -> memref<200x64xf32, #tpu.memory_space<hbm>>
      %dma_wait3A_93 = arith.constant 0 : i32
      %dma_wait3A_94 = arith.constant 0 : i32
      %dma_wait3A_95 = tpu.memref_slice %arg3[%dma_wait3A_93, %dma_wait3A_94] : memref<1000000x64xf32, #tpu.memory_space<hbm>> -> memref<200x64xf32, #tpu.memory_space<hbm>>
      tpu.wait_dma2 semaphore(%arg11 : memref<!tpu.dma_semaphore, #tpu.memory_space<semaphore_mem>>) src(%dma_wait3A_95 : memref<200x64xf32, #tpu.memory_space<hbm>>) dst(%arg7 : memref<200x64xf32, #tpu.memory_space<vmem>>)
      %gt3A_96 = arith.constant 0 : i32
      %gt3A_97 = arith.cmpi sgt, %scan3A_67, %gt3A_96 : i32
      %convert_element_type3A_98 = arith.extui %gt3A_97 : i1 to i32
      %cond3A_99 = arith.constant 0 : i32
      %cond3A_100 = arith.cmpi ne, %convert_element_type3A_98, %cond3A_99 : i32
      scf.if %cond3A_100 {
        %sub3A_115 = arith.constant 1 : i32
        %sub3A_116 = arith.subi %add3A_70, %sub3A_115 : i32
        %mul3A_117 = arith.constant 12800 : i32
        %mul3A_118 = arith.muli %sub3A_116, %mul3A_117 : i32
        %dma_wait3A_119 = tpu.memref_slice %arg4[%mul3A_118] : memref<52428800xf32, #tpu.memory_space<hbm>> -> memref<12800xf32, #tpu.memory_space<hbm>>
        %dma_wait3A_120 = tpu.memref_slice %arg4[%mul3A_118] : memref<52428800xf32, #tpu.memory_space<hbm>> -> memref<12800xf32, #tpu.memory_space<hbm>>
        tpu.wait_dma2 semaphore(%arg13 : memref<!tpu.dma_semaphore, #tpu.memory_space<semaphore_mem>>) src(%arg9 : memref<12800xf32, #tpu.memory_space<vmem>>) dst(%dma_wait3A_120 : memref<12800xf32, #tpu.memory_space<hbm>>)
      } else {
      }
      %parallel_loop3A_101 = arith.constant 0 : i32
      %parallel_loop3A_102 = arith.constant 200 : i32
      %parallel_loop3A_103 = arith.constant 1 : i32
      scf.for %parallel_loop3A_115 = %parallel_loop3A_101 to %parallel_loop3A_102 step %parallel_loop3A_103  : i32 {
        %parallel_loop3A_116 = arith.index_cast %parallel_loop3A_115 : i32 to index
        %parallel_loop3A_117 = arith.constant 0 : index
        %parallel_loop3A_118 = tpu.vector_load %arg7[%parallel_loop3A_116, %parallel_loop3A_117] {strides = array<i32>} : memref<200x64xf32, #tpu.memory_space<vmem>>, vector<16xf32>,
        %parallel_loop3A_119 = arith.constant 0 : i32
        %parallel_loop3A_120 = arith.addi %parallel_loop3A_119, %parallel_loop3A_115 : i32
        %parallel_loop3A_121 = vector.broadcast %parallel_loop3A_120 : i32 to vector<16xi32>
        %parallel_loop3A_122 = arith.addi %mul3A_5, %parallel_loop3A_121 : vector<16xi32>
        tpu.vector_store_idx %arg9[%parallel_loop3A_122], %parallel_loop3A_118 : memref<12800xf32, #tpu.memory_space<vmem>>[vector<16xi32>], vector<16xf32>,
        %parallel_loop3A_123 = arith.index_cast %parallel_loop3A_115 : i32 to index
        %parallel_loop3A_124 = arith.constant 16 : index
        %parallel_loop3A_125 = tpu.vector_load %arg7[%parallel_loop3A_123, %parallel_loop3A_124] {strides = array<i32>} : memref<200x64xf32, #tpu.memory_space<vmem>>, vector<16xf32>,
        %parallel_loop3A_126 = arith.constant 3200 : i32
        %parallel_loop3A_127 = arith.addi %parallel_loop3A_126, %parallel_loop3A_115 : i32
        %parallel_loop3A_128 = vector.broadcast %parallel_loop3A_127 : i32 to vector<16xi32>
        %parallel_loop3A_129 = arith.addi %mul3A_5, %parallel_loop3A_128 : vector<16xi32>
        tpu.vector_store_idx %arg9[%parallel_loop3A_129], %parallel_loop3A_125 : memref<12800xf32, #tpu.memory_space<vmem>>[vector<16xi32>], vector<16xf32>,
        %parallel_loop3A_130 = arith.index_cast %parallel_loop3A_115 : i32 to index
        %parallel_loop3A_131 = arith.constant 32 : index
        %parallel_loop3A_132 = tpu.vector_load %arg7[%parallel_loop3A_130, %parallel_loop3A_131] {strides = array<i32>} : memref<200x64xf32, #tpu.memory_space<vmem>>, vector<16xf32>,
        %parallel_loop3A_133 = arith.constant 6400 : i32
        %parallel_loop3A_134 = arith.addi %parallel_loop3A_133, %parallel_loop3A_115 : i32
        %parallel_loop3A_135 = vector.broadcast %parallel_loop3A_134 : i32 to vector<16xi32>
        %parallel_loop3A_136 = arith.addi %mul3A_5, %parallel_loop3A_135 : vector<16xi32>
        tpu.vector_store_idx %arg9[%parallel_loop3A_136], %parallel_loop3A_132 : memref<12800xf32, #tpu.memory_space<vmem>>[vector<16xi32>], vector<16xf32>,
        %parallel_loop3A_137 = arith.index_cast %parallel_loop3A_115 : i32 to index
        %parallel_loop3A_138 = arith.constant 48 : index
        %parallel_loop3A_139 = tpu.vector_load %arg7[%parallel_loop3A_137, %parallel_loop3A_138] {strides = array<i32>} : memref<200x64xf32, #tpu.memory_space<vmem>>, vector<16xf32>,
        %parallel_loop3A_140 = arith.constant 9600 : i32
        %parallel_loop3A_141 = arith.addi %parallel_loop3A_140, %parallel_loop3A_115 : i32
        %parallel_loop3A_142 = vector.broadcast %parallel_loop3A_141 : i32 to vector<16xi32>
        %parallel_loop3A_143 = arith.addi %mul3A_5, %parallel_loop3A_142 : vector<16xi32>
        tpu.vector_store_idx %arg9[%parallel_loop3A_143], %parallel_loop3A_139 : memref<12800xf32, #tpu.memory_space<vmem>>[vector<16xi32>], vector<16xf32>,
      } {sc.loop_unroll_factor = 8 : i64, sc.parallel_access}
      %add3A_104 = arith.constant 1 : i32
      %add3A_105 = arith.addi %add3A_70, %add3A_104 : i32
      %mul3A_106 = arith.constant 12800 : i32
      %mul3A_107 = arith.muli %add3A_105, %mul3A_106 : i32
      %dma_start3A_108 = tpu.memref_slice %arg4[%mul3A_107] : memref<52428800xf32, #tpu.memory_space<hbm>> -> memref<12800xf32, #tpu.memory_space<hbm>>
      %dma_start3A_109 = tpu.memref_slice %arg4[%mul3A_107] : memref<52428800xf32, #tpu.memory_space<hbm>> -> memref<12800xf32, #tpu.memory_space<hbm>>
      tpu.enqueue_dma source(%arg9 : memref<12800xf32, #tpu.memory_space<vmem>>) target(%dma_start3A_109 : memref<12800xf32, #tpu.memory_space<hbm>>) target_semaphore(%arg13 : memref<!tpu.dma_semaphore, #tpu.memory_space<semaphore_mem>>)
      %lt3A_110 = arith.constant 63 : i32
      %lt3A_111 = arith.cmpi slt, %scan3A_67, %lt3A_110 : i32
      %convert_element_type3A_112 = arith.extui %lt3A_111 : i1 to i32
      %cond3A_113 = arith.constant 0 : i32
      %cond3A_114 = arith.cmpi ne, %convert_element_type3A_112, %cond3A_113 : i32
      scf.if %cond3A_114 {
        %add3A_115 = arith.constant 3 : i32
        %add3A_116 = arith.addi %mul3A_69, %add3A_115 : i32
        %mul3A_117 = arith.constant 200 : i32
        %mul3A_118 = arith.muli %add3A_116, %mul3A_117 : i32
        %dma_start3A_119 = arith.constant 0 : i32
        %dma_start3A_120 = arith.constant 0 : i32
        %dma_start3A_121 = tpu.memref_slice %arg7[%dma_start3A_119, %dma_start3A_120] : memref<200x64xf32, #tpu.memory_space<vmem>> -> memref<104x64xf32, #tpu.memory_space<vmem>>
        %dma_start3A_122 = tpu.memref_slice %arg5[%mul3A_118] : memref<25600xi32, #tpu.memory_space<vmem>> -> memref<104xi32, #tpu.memory_space<vmem>>
        %dma_start3A_123 = arith.constant 0 : i32
        %dma_start3A_124 = arith.constant 0 : i32
        %dma_start3A_125 = tpu.memref_slice %arg3[%dma_start3A_123, %dma_start3A_124] : memref<1000000x64xf32, #tpu.memory_space<hbm>> -> memref<1000000x64xf32, #tpu.memory_space<hbm>>
        tpu.enqueue_indirect_dma source(%dma_start3A_125 : memref<1000000x64xf32, #tpu.memory_space<hbm>>) target(%dma_start3A_121 : memref<104x64xf32, #tpu.memory_space<vmem>>) offsets(%dma_start3A_122 : memref<104xi32, #tpu.memory_space<vmem>>) semaphore(%arg11 : memref<!tpu.dma_semaphore, #tpu.memory_space<semaphore_mem>>)
        %mul3A_126 = arith.constant 200 : i32
        %mul3A_127 = arith.muli %add3A_116, %mul3A_126 : i32
        %add3A_128 = arith.constant 104 : i32
        %add3A_129 = arith.addi %mul3A_127, %add3A_128 : i32
        %dma_start3A_130 = arith.constant 104 : i32
        %dma_start3A_131 = arith.constant 0 : i32
        %dma_start3A_132 = tpu.memref_slice %arg7[%dma_start3A_130, %dma_start3A_131] : memref<200x64xf32, #tpu.memory_space<vmem>> -> memref<96x64xf32, #tpu.memory_space<vmem>>
        %dma_start3A_133 = tpu.memref_slice %arg5[%add3A_129] : memref<25600xi32, #tpu.memory_space<vmem>> -> memref<96xi32, #tpu.memory_space<vmem>>
        %dma_start3A_134 = arith.constant 0 : i32
        %dma_start3A_135 = arith.constant 0 : i32
        %dma_start3A_136 = tpu.memref_slice %arg3[%dma_start3A_134, %dma_start3A_135] : memref<1000000x64xf32, #tpu.memory_space<hbm>> -> memref<1000000x64xf32, #tpu.memory_space<hbm>>
        tpu.enqueue_indirect_dma source(%dma_start3A_136 : memref<1000000x64xf32, #tpu.memory_space<hbm>>) target(%dma_start3A_132 : memref<96x64xf32, #tpu.memory_space<vmem>>) offsets(%dma_start3A_133 : memref<96xi32, #tpu.memory_space<vmem>>) semaphore(%arg11 : memref<!tpu.dma_semaphore, #tpu.memory_space<semaphore_mem>>)
      } else {
      }
    }
    %scan3A_52 = arith.constant 64 : i32
    %add3A_53 = arith.constant 128 : i32
    %add3A_54 = arith.addi %mul3A_2, %add3A_53 : i32
    %sub3A = arith.constant 2 : i32
    %sub3A_55 = arith.subi %add3A_54, %sub3A : i32
    %mul3A_56 = arith.constant 12800 : i32
    %mul3A_57 = arith.muli %sub3A_55, %mul3A_56 : i32
    %dma_wait3A = tpu.memref_slice %arg4[%mul3A_57] : memref<52428800xf32, #tpu.memory_space<hbm>> -> memref<12800xf32, #tpu.memory_space<hbm>>
    %dma_wait3A_58 = tpu.memref_slice %arg4[%mul3A_57] : memref<52428800xf32, #tpu.memory_space<hbm>> -> memref<12800xf32, #tpu.memory_space<hbm>>
    tpu.wait_dma2 semaphore(%arg12 : memref<!tpu.dma_semaphore, #tpu.memory_space<semaphore_mem>>) src(%arg8 : memref<12800xf32, #tpu.memory_space<vmem>>) dst(%dma_wait3A_58 : memref<12800xf32, #tpu.memory_space<hbm>>)
    %add3A_59 = arith.constant 128 : i32
    %add3A_60 = arith.addi %mul3A_2, %add3A_59 : i32
    %sub3A_61 = arith.constant 1 : i32
    %sub3A_62 = arith.subi %add3A_60, %sub3A_61 : i32
    %mul3A_63 = arith.constant 12800 : i32
    %mul3A_64 = arith.muli %sub3A_62, %mul3A_63 : i32
    %dma_wait3A_65 = tpu.memref_slice %arg4[%mul3A_64] : memref<52428800xf32, #tpu.memory_space<hbm>> -> memref<12800xf32, #tpu.memory_space<hbm>>
    %dma_wait3A_66 = tpu.memref_slice %arg4[%mul3A_64] : memref<52428800xf32, #tpu.memory_space<hbm>> -> memref<12800xf32, #tpu.memory_space<hbm>>
    tpu.wait_dma2 semaphore(%arg13 : memref<!tpu.dma_semaphore, #tpu.memory_space<semaphore_mem>>) src(%arg9 : memref<12800xf32, #tpu.memory_space<vmem>>) dst(%dma_wait3A_66 : memref<12800xf32, #tpu.memory_space<hbm>>)
    return
  }
}

</mosaic_0001>

<sc_bundles>
// kernel: _emb_encoder.3.cloned.1.call-start
scs
__scs_entry_jumppad:
0x0: {  	(pc) =	sbr.rel $0x88, $3  }
0x1: {  	(tag) =	ssettag $0x0;
	lr =	simm.s32 $0x1  }
0x2: {  	[smem:$0x3F9F] =	sst lr;
	_ =	strace $0xD0000000  }
0x3: {  	_ = 	snop  }
0x4: {  	_ = 	snop  }
0x5: {  	_ = 	snop  }
0x6: {  	_ = 	snop  }
0x7: {  	_ = 	snop  }
__scs_overlays_trampoline_lowered:
0x8: {  	[smem:$0x3FAE] =	sst s0  }
0x9: {  	[smem:$0x3FAF] =	sst s1  }
0xa: {  	[smem:$0x3FB0] =	sst s2  }
0xb: {  	[smem:$0x3FB1] =	sst s3  }
0xc: {  	[smem:$0x3FB2] =	sst s4  }
0xd: {  	[smem:$0x3FB3] =	sst s5  }
0xe: {  	[smem:$0x3FB4] =	sst s6  }
0xf: {  	[smem:$0x3FB5] =	sst s7  }
0x10: {  	[smem:$0x3FB6] =	sst s8  }
0x11: {  	[smem:$0x3FB7] =	sst s9;
	s0 =	simm.s32 @!p0 $0x0  }
0x12: {  	s1 =	sld [smem:$0x3F9D];
	s0 =	simm.s32 @p0 $0x1  }
0x13: {  	[smem:$0x3FB8] =	sst s0;
	s0 =	simm.s32 @!p1 $0x0  }
0x14: {  	s2 =	sld [smem:$0x3F9C];
	s0 =	simm.s32 @p1 $0x1  }
0x15: {  	[smem:$0x3FB9] =	sst s0;
	s0 =	simm.s32 @!p2 $0x0  }
0x16: {  	s3 =	sld [smem:$0x3FDB];
	s0 =	simm.s32 @p2 $0x1  }
0x17: {  	s4 =	simm.s32 $0x1BF5;
	[smem:$0x3FBB] =	sst s0  }
0x18: {  	s0 =	sld [smem:$0x3F9E];
	_ =	swait.ge [sflag:s4], $0x0  }
0x19: {  	s7 =	sld [smem:$0x3F9F]  }
0x1a: {  	s8 =	sadd.s32 $0xFFFFE003, lr  }
0x1b: {  	s9 =	sadd.s32 $0xFFFFFEF7, lr;
	s5 =	simm.s32 $0xFFFFFFFF;
	p2 =	slt.u32 s8, $0xFFFFF086  }
0x1c: {  	p1 =	slt.u32 s9, $0xF7A;
	s5 =	simm.s32 @!p2 $0x0  }
0x1d: {  	s5 =	simm.s32 @p1 $0x1;
	p0 =	seq.s32 s7, s2  }
0x1e: {  	s7 =	smul.u32 @!p0 $0xF7A, s2;
	p2 =	seq.s32 @!p0 s5, $0x0  }
0x1f: {  	s9 =	smul.u32 $0xF7A, s1;
	s8 =	simm.s32 @!p0 $0x1BF5;
	p2 =	por !p2, p0  }
0x20: {  	[sflag:s8] =	ssyncset.s32 @!p0 $0xFFFFF086;
	s6 =	sadd.s32 @!p0 s3, s7;
	s7 =	simm.s32 @!p0 $0x108  }
0x21: {  	s3 =	sadd.s32 s3, s9;
	s6 =	sadd.s32 @!p0 $0x88, s6;
	s7 =	simm.s32 @p2 $0x1082  }
0x22: {  	[simem:s7], [sflag:s8] =	dma.local @!p0 [hbm:s6], $0xF7A  }
0x23: {  	s9 =	sor.u32 $0xD0000000, s2;
	s6 =	simm.s32 $0x108;
	_ =	swait.ge @!p0 [sflag:s8], $0x0  }
0x24: {  	s3 =	sadd.s32 $0x88, s3;
	s6 =	simm.s32 @!p1 $0x1082;
	[sflag:s4] =	ssyncset.s32 $0xFFFFF086  }
0x25: {  	[simem:s6], [sflag:s4] =	dma.local [hbm:s3], $0xF7A  }
0x26: {  	[smem:$0x3F9F] =	sst s1;
	(tag) =	ssettag s2;
	_ =	strace s9  }
0x27: {  	s1 =	sld [smem:$0x3FAF]  }
0x28: {  	s2 =	sld [smem:$0x3FB0]  }
0x29: {  	s4 =	sld [smem:$0x3FB2]  }
0x2a: {  	p0 =	seq.s32 s5, $0x0;
	s5 =	sld [smem:$0x3FB3]  }
0x2b: {  	s6 =	sld [smem:$0x3FB4]  }
0x2c: {  	s7 =	sld [smem:$0x3FB5]  }
0x2d: {  	s3 =	simm.s32 $0x108;
	s8 =	sld [smem:$0x3FB6]  }
0x2e: {  	s3 =	simm.s32 @!p0 $0x1082;
	s9 =	sld [smem:$0x3FB7]  }
0x2f: {  	lr =	sadd.s32 s0, s3;
	s0 =	sld [smem:$0x3FAE]  }
0x30: {  	s3 =	sld [smem:$0x3FB1]  }
0x31: {  	[smem:$0x3FBA] =	sst s10  }
0x32: {  	s10 =	sld [smem:$0x3FB8];
	_ =	sdelay $0x3  }
0x33: {  	p0 =	seq.s32 s10, $0x1;
	s10 =	sld [smem:$0x3FBA];
	_ =	sdelay $0x3  }
0x34: {  	[smem:$0x3FBA] =	sst s10  }
0x35: {  	s10 =	sld [smem:$0x3FB9];
	_ =	sdelay $0x3  }
0x36: {  	p1 =	seq.s32 s10, $0x1;
	s10 =	sld [smem:$0x3FBA];
	_ =	sdelay $0x3  }
0x37: {  	[smem:$0x3FBA] =	sst s10  }
0x38: {  	s10 =	sld [smem:$0x3FBB]  }
0x39: {  	_ = 	snop;
	(pc) =	sbr.ind lr, $3  }
0x3a: {  	_ = 	snop  }
0x3b: {  	_ = 	snop  }
0x3c: {  	p2 =	seq.s32 s10, $0x1;
	s10 =	sld [smem:$0x3FBA]  }
0x3d: {  	_ =	shalt  }
0x3e: {  	_ =	shalt  }
0x3f: {  	_ =	shalt  }
0x40: {  	_ =	shalt  }
0x41: {  	_ =	shalt  }
0x42: {  	_ =	shalt  }
0x43: {  	_ =	shalt  }
0x44: {  	_ =	shalt  }
0x45: {  	_ =	shalt  }
0x46: {  	_ =	shalt  }
0x47: {  	_ =	shalt  }
0x48: {  	_ =	shalt  }
0x49: {  	_ =	shalt  }
0x4a: {  	_ =	shalt  }
0x4b: {  	_ =	shalt  }
0x4c: {  	_ =	shalt  }
0x4d: {  	_ =	shalt  }
0x4e: {  	_ =	shalt  }
0x4f: {  	_ =	shalt  }
0x50: {  	_ =	shalt  }
0x51: {  	_ =	shalt  }
0x52: {  	_ =	shalt  }
0x53: {  	_ =	shalt  }
0x54: {  	_ =	shalt  }
0x55: {  	_ =	shalt  }
0x56: {  	_ =	shalt  }
0x57: {  	_ =	shalt  }
0x58: {  	_ =	shalt  }
0x59: {  	_ =	shalt  }
0x5a: {  	_ =	shalt  }
0x5b: {  	_ =	shalt  }
0x5c: {  	_ =	shalt  }
0x5d: {  	_ =	shalt  }
0x5e: {  	_ =	shalt  }
0x5f: {  	_ =	shalt  }
0x60: {  	_ =	shalt  }
0x61: {  	_ =	shalt  }
0x62: {  	_ =	shalt  }
0x63: {  	_ =	shalt  }
0x64: {  	_ =	shalt  }
0x65: {  	_ =	shalt  }
0x66: {  	_ =	shalt  }
0x67: {  	_ =	shalt  }
0x68: {  	_ =	shalt  }
0x69: {  	_ =	shalt  }
0x6a: {  	_ =	shalt  }
0x6b: {  	_ =	shalt  }
0x6c: {  	_ =	shalt  }
0x6d: {  	_ =	shalt  }
0x6e: {  	_ =	shalt  }
0x6f: {  	_ =	shalt  }
0x70: {  	_ =	shalt  }
0x71: {  	_ =	shalt  }
0x72: {  	_ =	shalt  }
0x73: {  	_ =	shalt  }
0x74: {  	_ =	shalt  }
0x75: {  	_ =	shalt  }
0x76: {  	_ =	shalt  }
0x77: {  	_ =	shalt  }
0x78: {  	_ =	shalt  }
0x79: {  	_ =	shalt  }
0x7a: {  	_ =	shalt  }
0x7b: {  	_ =	shalt  }
0x7c: {  	_ =	shalt  }
0x7d: {  	_ =	shalt  }
0x7e: {  	_ =	shalt  }
0x7f: {  	_ =	shalt  }
0x80: {  	_ =	shalt  }
0x81: {  	_ =	shalt  }
0x82: {  	_ =	shalt  }
0x83: {  	_ =	shalt  }
0x84: {  	_ =	shalt  }
0x85: {  	_ =	shalt  }
0x86: {  	_ =	shalt  }
0x87: {  	_ =	shalt  }
.Lfunc_end0:
.L_simem_size_0:
called_computation_lowered:
.L_overlay_start_0:
0x88: {  	s2 =	sld [smem:$0x3FD9]  }
0x89: {  	s3 =	sld [smem:$0x3FFE];
	_ =	sdelay $0x1  }
0x8a: {  	s1 =	srdreg.scid  }
0x8b: {  	s0 =	sand.u32 $0x1, s1  }
0x8c: {  	s17 =	sshll.u32 s0, $0xA;
	s2 =	sadd.s32 s3, s2  }
0x8d: {  	s2 =	sadd.s32 s2, s17  }
0x8e: {  	[smem:$0x3FC6] =	sst s2  }
0x8f: {  	_ = 	snop  }
0x90: {  	s2 =	sld [smem:$0x3FC9]  }
0x91: {  	s18 =	sld [smem:$0x3FD0];
	(tm) =	ssettm $0x1  }
0x92: {  	s4 =	sld [smem:$0x3FFB];
	_ =	sdelay $0x3  }
0x93: {  	_ =	strace s4  }
0x94: {  	s4 =	sld [smem:$0x3FFC];
	_ =	sdelay $0x3  }
0x95: {  	_ =	strace s4  }
0x96: {  	s4 =	sld [smem:$0x3FFD];
	_ =	sdelay $0x3  }
0x97: {  	_ =	strace s4  }
0x98: {  	_ =	strace $0x8FFFFFFF  }
0x99: {  	s19 =	sld [smem:$0x3FDB];
	_ =	sdelay $0x1  }
0x9a: {  	s5 =	simm.s32 $_scs_section_size  }
0x9b: {  	s6 =	simm.s32 $_size__tile_overlayer_lowered;
	s7 =	simm.s32 $_tile_overlayer_lowered  }
0x9c: {  	s22 =	simm.s32 $0x1BFF;
	s21 =	sshll.u32 s7, $0x1;
	s4 =	sadd.s32 s5, s19  }
0x9d: {  	s8 =	simm.s32 $0x0;
	s20 =	sshll.u32 s6, $0x1;
	s6 =	sadd.s32 s21, s4  }
0x9e: {  	[timem:s8], [sflag:s22] =	dma.local [hbm:s6], s20  }
0x9f: {  	_ =	swait.ge [sflag:s22], s20  }
0xa0: {  	s5 =	ssub.s32 $0x0, s20;
	[sflag:s22] =	ssyncset.done $0x0  }
0xa1: {  	[sflag:s22] =	ssyncadd.s32 s5;
	_ =	sdelay $0x1  }
0xa2: {  	s23 =	simm.s32 $0x1B8B  }
0xa3: {  	_ =	swait.ge [sflag:s23], $0x1  }
0xa4: {  	[sflag:s23] =	ssyncset.done $0x0  }
0xa5: {  	s25 =	simm.s32 $0x1B8E;
	s24 =	sld [smem:$0x3FFE];
	[sflag:s23] =	ssyncadd.s32 $0xFFFFFFFF  }
0xa6: {  	s26 =	simm.s32 $execute0_lowered;
	[smem:$0x3FD2] =	sst s25  }
0xa7: {  	s6 =	sshll.u32 s26, $0x1;
	_ =	strace $0x80000046;
	[dreg:$0x1] =	wrdreg $0xFFFFFFFF  }
0xa8: {  	s28 =	simm.s32 $_size_execute0_lowered;
	s4 =	sadd.s32 s4, s6;
	[dreg:$0x0] =	wrdreg $0x0  }
0xa9: {  	s6 =	sshll.u32 s28, $0x1;
	[dreg:$0x2] =	wrdreg s4  }
0xaa: {  	[dreg:$0x3] =	wrdreg s6  }
0xab: {  	[dreg:$0x4] =	wrdreg $0xC0  }
0xac: {  	_ =	task [dreg:s8], $0x5FFFF  }
0xad: {  	[dreg:$0x1] =	wrdreg $0xFFFFFFFF  }
0xae: {  	[dreg:$0x0] =	wrdreg $0x60  }
0xaf: {  	[dreg:$0x2] =	wrdreg s2  }
0xb0: {  	[dreg:$0x3] =	wrdreg s24  }
0xb1: {  	[dreg:$0x4] =	wrdreg s18  }
0xb2: {  	[dreg:$0x5] =	wrdreg $0x9  }
0xb3: {  	_ =	task.clear_ibuf [dreg:s8], $0x6FFFF;
	_ =	strace $0x90000046  }
0xb4: {  	s29 =	simm.s32 $0x9;
	_ =	strace $0x80000048  }
0xb5: {  	_ =	swait.ge [sflag:s29], $0x1  }
0xb6: {  	[sflag:s29] =	ssyncadd.s32 $0xFFFFFFFF  }
0xb7: {  	_ =	strace $0x90000048  }
0xb8: {  	_ =	sfence  }
0xb9: {  	s30 =	sld [smem:$0x0];
	_ =	sdelay $0x2  }
0xba: {  	s31 =	sshll.u32 s1, $0xD;
	s1 =	sshrl.u32 s1, $0x2  }
0xbb: {  	s3 =	sand.u32 $0x4000, s31;
	s1 =	sadd.s32 s1, s30  }
0xbc: {  	s0 =	sor.u32 s3, s0;
	s1 =	sshll.u32 s1, $0x11  }
0xbd: {  	s0 =	sor.u32 s1, s0  }
0xbe: {  	s0 =	sadd.s32 $0x8F2B, s0  }
0xbf: {  	[sflag:s0] =	ssyncadd.remote.s32 $0x1  }
0xc0: {  	_ =	sfence.sel $0xFFFF  }
0xc1: {  	[dreg:$0x0] =	wrdreg $0xFFFFFFFF;
	(pc) =	sbr.abs _section_cstart, $3  }
0xc2: {  	[dreg:$0x1] =	wrdreg $0xFFFFFFFF  }
0xc3: {  	_ =	task.clear_ibuf [dreg:s8], $0x2FFFF;
	_ =	strace $0x9FFFFFFF  }
0xc4: {  	(tm) =	ssettm $0x7FFFFFFF  }
0xc5: {  	_ =	shalt  }
tec
execute0_lowered:
.L_overlay_start_1:
0x0: {  	(tag) =	ssettag $0x1  }
0x1: {  	s0 =	rddreg [dreg:$0x0]  }
0x2: {  	s1 =	rddreg [dreg:$0x1]  }
0x3: {  	s3 =	srdreg.scid;
	s5 =	stileid.u32  }
0x4: {  	s2 =	rddreg [dreg:$0x2];
	s9 =	simm.s32 $0x5;
	s10 =	simm.s32 $0x68  }
0x5: {  	s11 =	simm.s32 $0x6400;
	s12 =	simm.s32 $0x60;
	s13 =	simm.s32 $0x7E00  }
0x6: {  	s15 =	simm.s32 $0x9600;
	s16 =	simm.s32 $0x130;
	s17 =	simm.s32 $0xB000  }
0x7: {  	s18 =	simm.s32 $0x190;
	s19 =	simm.s32 $0x1;
	s20 =	simm.s32 $0xC800  }
0x8: {  	s21 =	simm.s32 $0x2;
	s22 =	simm.s32 $0x4;
	s23 =	simm.s32 $0xFA00  }
0x9: {  	s24 =	simm.s32 $0x3;
	s4 =	sand.u32 $0x1, s3;
	s5 =	sshll.u32 s5, $0x1  }
.Ltmp0:
0xa: {  	s25 =	simm.s32 $0x0;
	s6 =	sor.u32 s4, s5;
	(pc) =	sbr.rel .LBB2_1-.Ltmp0, $4  }
0xb: {  	s3 =	simm.s32 $0x0;
	s7 =	ssub.s32 $0x2, s4;
	s5 =	smul.u32 $0xC80, s6  }
0xc: {  	v0 =	vlaneseq.u32;
	[smem:$0x7FF] =	sst s3;
	s4 =	sadd.s32 $0xF42800, s1;
	s30 =	sshrl.u32 s7, $0x1  }
0xd: {  	v0 =	vmul.u32 $0xC8, v0;
	_ =	strace $0x80000047;
	s31 =	ssub.s32 s7, s30;
	s5 =	sadd.s32 s0, s5  }
0xe: {  	s6 =	sshll.u32 s6, $0x7;
	s8 =	smax.u32 s31, $0x1;
	s7 =	sadd.s32 $0x32, s5  }
.LBB2_18:
0xf: {  	s25 =	sadd.s32 $0x1, s25  }
0x10: {  	_ =	swait.ge [sflag:s24], $0x3200;
	p0 =	sne.s32 s25, s8  }
.Ltmp1:
0x11: {  	[sflag:s24] =	ssyncset.done $0x0;
	(pc) =	sbr.rel @!p0 .LBB2_19-.Ltmp1, $4  }
0x12: {  	[sflag:s24] =	ssyncadd.s32 $0xFFFFCE00  }
0x13: {  	_ =	swait.ge [sflag:s22], $0x3200  }
0x14: {  	[sflag:s22] =	ssyncset.done $0x0  }
0x15: {  	[sflag:s22] =	ssyncadd.s32 $0xFFFFCE00  }
.LBB2_1:
0x16: {  	[tilespmem:s3], [sflag:$0x5] =	stream.linear.gather [hbm4b:s5+s3], $0x190, $0x38;
	[tilespmem:$0x12C00] =	vst v63  }
0x17: {  	_ =	swait.ge [sflag:s9], $0x190  }
0x18: {  	[sflag:s9] =	ssyncset.done $0x0  }
0x19: {  	s1 =	simm.s32 $0x40;
	[sflag:s9] =	ssyncadd.s32 $0xFFFFFE70  }
0x1a: {  	v3 =	vld [tilespmem:s1+$0x30]  }
0x1b: {  	v7 =	vld [tilespmem:s1+$0xFFFFFFD0]  }
0x1c: {  	v6 =	vld [tilespmem:s1+$0xFFFFFFE0]  }
0x1d: {  	v5 =	vld [tilespmem:s1+$0xFFFFFFF0]  }
0x1e: {  	v4 =	vld [tilespmem:s1+$0x0]  }
0x1f: {  	v2 =	vld [tilespmem:s1+$0x10];
	vm0 =	vgt.s32 v3, $0x0  }
0x20: {  	v1 =	vld [tilespmem:s1+$0x20];
	vm1 =	vgt.s32 v7, $0x0;
	v9 =	vnsel vm0, $0x0, v3  }
0x21: {  	s26 =	simm.s32 $0x0;
	s28 =	simm.s32 $0xC0;
	v3 =	vld [tilespmem:s1+$0xFFFFFFC0];
	v8 =	vnsel vm1, $0x0, v7;
	vm0 =	vgt.s32 v6, $0x0;
	v7 =	vmin.u32 v9, $0xF423F  }
.LBB2_2:
0x22: {  	v9 =	vld [tilespmem:s28+$0x30];
	s26 =	sadd.s32 $0x80, s26;
	v8 =	vmin.u32 v8, $0xF423F;
	v6 =	vnsel vm0, $0x0, v6;
	vm0 =	vgt.s32 v5, $0x0;
	[tilespmem:s1+$0x30] =	vst v7  }
0x23: {  	v7 =	vld [tilespmem:s28+$0xFFFFFFD0];
	p0 =	slt.u32 s26, $0x100;
	[tilespmem:s1+$0xFFFFFFD0] =	vst v8;
	v8 =	vmin.u32 v6, $0xF423F;
	v5 =	vnsel vm0, $0x0, v5;
	vm0 =	vgt.s32 v4, $0x0  }
0x24: {  	v6 =	vld [tilespmem:s28+$0xFFFFFFE0];
	[tilespmem:s1+$0xFFFFFFE0] =	vst v8;
	v8 =	vmin.u32 v5, $0xF423F;
	v4 =	vnsel vm0, $0x0, v4;
	vm0 =	vgt.s32 v2, $0x0  }
.Ltmp2:
0x25: {  	v5 =	vld [tilespmem:s28+$0xFFFFFFF0];
	[tilespmem:s1+$0xFFFFFFF0] =	vst v8;
	v8 =	vmin.u32 v4, $0xF423F;
	v2 =	vnsel vm0, $0x0, v2;
	vm0 =	vgt.s32 v1, $0x0;
	(pc) =	sbr.rel @p0 .LBB2_2-.Ltmp2, $4  }
0x26: {  	v4 =	vld [tilespmem:s28+$0x0];
	vm1 =	vgt.s32 v3, $0x0;
	[tilespmem:s1+$0x0] =	vst v8;
	v8 =	vmin.u32 v2, $0xF423F;
	v1 =	vnsel vm0, $0x0, v1  }
0x27: {  	v2 =	vld [tilespmem:s28+$0x10];
	vm0 =	vgt.s32 v9, $0x0;
	v3 =	vnsel vm1, $0x0, v3;
	[tilespmem:s1+$0x10] =	vst v8;
	v8 =	vmin.u32 v1, $0xF423F  }
0x28: {  	vm1 =	vgt.s32 v7, $0x0;
	v1 =	vld [tilespmem:s28+$0x20];
	v9 =	vnsel vm0, $0x0, v9;
	v10 =	vmin.u32 v3, $0xF423F;
	[tilespmem:s1+$0x20] =	vst v8  }
0x29: {  	v3 =	vld [tilespmem:s28+$0xFFFFFFC0];
	v8 =	vnsel vm1, $0x0, v7;
	vm0 =	vgt.s32 v6, $0x0;
	v7 =	vmin.u32 v9, $0xF423F;
	[tilespmem:s1+$0xFFFFFFC0] =	vst v10;
	s1 =	smov.u32 s28;
	s28 =	sadd.s32 $0x80, s28  }
0x2a: {  	v8 =	vmin.u32 v8, $0xF423F;
	v6 =	vnsel vm0, $0x0, v6;
	vm0 =	vgt.s32 v5, $0x0;
	[tilespmem:s1+$0x30] =	vst v7  }
0x2b: {  	[tilespmem:s1+$0xFFFFFFD0] =	vst v8;
	v6 =	vmin.u32 v6, $0xF423F;
	v5 =	vnsel vm0, $0x0, v5;
	vm0 =	vgt.s32 v4, $0x0  }
0x2c: {  	[tilespmem:s1+$0xFFFFFFE0] =	vst v6;
	v5 =	vmin.u32 v5, $0xF423F;
	v4 =	vnsel vm0, $0x0, v4;
	vm0 =	vgt.s32 v2, $0x0  }
0x2d: {  	[tilespmem:s1+$0xFFFFFFF0] =	vst v5;
	v4 =	vmin.u32 v4, $0xF423F;
	v2 =	vnsel vm0, $0x0, v2;
	vm0 =	vgt.s32 v1, $0x0  }
0x2e: {  	vm1 =	vgt.s32 v3, $0x0;
	[tilespmem:s1+$0x0] =	vst v4;
	v2 =	vmin.u32 v2, $0xF423F;
	v1 =	vnsel vm0, $0x0, v1  }
0x2f: {  	v3 =	vnsel vm1, $0x0, v3;
	[tilespmem:s1+$0x10] =	vst v2;
	v1 =	vmin.u32 v1, $0xF423F  }
0x30: {  	v2 =	vmin.u32 v3, $0xF423F;
	[tilespmem:s1+$0x20] =	vst v1  }
0x31: {  	[tilespmem:s1+$0xFFFFFFC0] =	vst v2  }
0x32: {  	v1 =	vld [tilespmem:$0x180];
	_ =	sdelay $0x4  }
0x33: {  	vm0 =	vgt.s32 v1, $0x0  }
0x34: {  	v1 =	vnsel vm0, $0x0, v1  }
0x35: {  	v1 =	vmin.u32 v1, $0xF423F  }
0x36: {  	[tilespmem:$0x180] =	vst v1  }
0x37: {  	[tilespmem:s11], [sflag:$0x1] =	stream.indirect.gather [hbm4b:s4+s10], $0x40, s3, s10, $0xb8;
	[tilespmem:$0x12C00] =	vst v63  }
0x38: {  	_ = 	snop  }
0x39: {  	[tilespmem:s13], [sflag:$0x1] =	stream.indirect.gather [hbm4b:s4+s12], $0x40, s10, s12, $0xb8;
	[tilespmem:$0x12C00] =	vst v63  }
0x3a: {  	s0 =	simm.s32 $0xC8  }
0x3b: {  	[tilespmem:s15], [sflag:$0x2] =	stream.indirect.gather [hbm4b:s4+s10], $0x40, s0, s10, $0xb8;
	[tilespmem:$0x12C00] =	vst v63  }
0x3c: {  	_ = 	snop  }
0x3d: {  	[tilespmem:s17], [sflag:$0x2] =	stream.indirect.gather [hbm4b:s4+s12], $0x40, s16, s12, $0xb8;
	[tilespmem:$0x12C00] =	vst v63  }
0x3e: {  	_ = 	snop  }
0x3f: {  	[tilespmem:s18], [sflag:$0x5] =	stream.linear.gather [hbm4b:s7+s3], $0x6270, $0x38;
	[tilespmem:$0x12C00] =	vst v63  }
0x40: {  	_ =	swait.ge [sflag:s9], $0x6270  }
0x41: {  	[sflag:s9] =	ssyncset.done $0x0  }
0x42: {  	s1 =	simm.s32 $0x200;
	[sflag:s9] =	ssyncadd.s32 $0xFFFF9D90  }
0x43: {  	v3 =	vld [tilespmem:s1+$0x0]  }
0x44: {  	v7 =	vld [tilespmem:s1+$0xFFFFFFA0]  }
0x45: {  	v6 =	vld [tilespmem:s1+$0xFFFFFFB0]  }
0x46: {  	v5 =	vld [tilespmem:s1+$0xFFFFFFC0]  }
0x47: {  	v4 =	vld [tilespmem:s1+$0xFFFFFFD0]  }
0x48: {  	v2 =	vld [tilespmem:s1+$0xFFFFFFE0];
	vm0 =	vgt.s32 v3, $0x0  }
0x49: {  	v1 =	vld [tilespmem:s1+$0xFFFFFFF0];
	vm1 =	vgt.s32 v7, $0x0;
	v9 =	vnsel vm0, $0x0, v3  }
0x4a: {  	s26 =	simm.s32 $0x190;
	s30 =	simm.s32 $0x280;
	v3 =	vld [tilespmem:s1+$0xFFFFFF90];
	v8 =	vnsel vm1, $0x0, v7;
	vm0 =	vgt.s32 v6, $0x0;
	v7 =	vmin.u32 v9, $0xF423F  }
.LBB2_4:
0x4b: {  	v9 =	vld [tilespmem:s30+$0x0];
	s26 =	sadd.s32 $0x80, s26;
	v8 =	vmin.u32 v8, $0xF423F;
	v6 =	vnsel vm0, $0x0, v6;
	vm0 =	vgt.s32 v5, $0x0;
	[tilespmem:s1+$0x0] =	vst v7;
	s28 =	simm.s32 $0x6380;
	s29 =	simm.s32 $0x6390  }
0x4c: {  	v7 =	vld [tilespmem:s30+$0xFFFFFFA0];
	p0 =	slt.u32 s26, $0x6310;
	[tilespmem:s1+$0xFFFFFFA0] =	vst v8;
	v8 =	vmin.u32 v6, $0xF423F;
	v5 =	vnsel vm0, $0x0, v5;
	vm0 =	vgt.s32 v4, $0x0  }
0x4d: {  	v6 =	vld [tilespmem:s30+$0xFFFFFFB0];
	[tilespmem:s1+$0xFFFFFFB0] =	vst v8;
	v8 =	vmin.u32 v5, $0xF423F;
	v4 =	vnsel vm0, $0x0, v4;
	vm0 =	vgt.s32 v2, $0x0  }
.Ltmp3:
0x4e: {  	v5 =	vld [tilespmem:s30+$0xFFFFFFC0];
	[tilespmem:s1+$0xFFFFFFC0] =	vst v8;
	v8 =	vmin.u32 v4, $0xF423F;
	v2 =	vnsel vm0, $0x0, v2;
	vm0 =	vgt.s32 v1, $0x0;
	(pc) =	sbr.rel @p0 .LBB2_4-.Ltmp3, $4  }
0x4f: {  	v4 =	vld [tilespmem:s30+$0xFFFFFFD0];
	vm1 =	vgt.s32 v3, $0x0;
	[tilespmem:s1+$0xFFFFFFD0] =	vst v8;
	v8 =	vmin.u32 v2, $0xF423F;
	v1 =	vnsel vm0, $0x0, v1  }
0x50: {  	v2 =	vld [tilespmem:s30+$0xFFFFFFE0];
	vm0 =	vgt.s32 v9, $0x0;
	v3 =	vnsel vm1, $0x0, v3;
	[tilespmem:s1+$0xFFFFFFE0] =	vst v8;
	v8 =	vmin.u32 v1, $0xF423F  }
0x51: {  	vm1 =	vgt.s32 v7, $0x0;
	v1 =	vld [tilespmem:s30+$0xFFFFFFF0];
	v9 =	vnsel vm0, $0x0, v9;
	v10 =	vmin.u32 v3, $0xF423F;
	[tilespmem:s1+$0xFFFFFFF0] =	vst v8  }
0x52: {  	v3 =	vld [tilespmem:s30+$0xFFFFFF90];
	v8 =	vnsel vm1, $0x0, v7;
	vm0 =	vgt.s32 v6, $0x0;
	v7 =	vmin.u32 v9, $0xF423F;
	[tilespmem:s1+$0xFFFFFF90] =	vst v10;
	s1 =	smov.u32 s30;
	s30 =	sadd.s32 $0x80, s30  }
0x53: {  	v8 =	vmin.u32 v8, $0xF423F;
	v6 =	vnsel vm0, $0x0, v6;
	vm12 =	vgt.s32 v5, $0x0;
	[tilespmem:s1+$0x0] =	vst v7  }
0x54: {  	[tilespmem:s1+$0xFFFFFFA0] =	vst v8;
	v6 =	vmin.u32 v6, $0xF423F;
	v5 =	vnsel vm12, $0x0, v5;
	vm13 =	vgt.s32 v4, $0x0  }
0x55: {  	[tilespmem:s1+$0xFFFFFFB0] =	vst v6;
	v5 =	vmin.u32 v5, $0xF423F;
	v4 =	vnsel vm13, $0x0, v4;
	vm14 =	vgt.s32 v2, $0x0  }
0x56: {  	[tilespmem:s1+$0xFFFFFFC0] =	vst v5;
	v4 =	vmin.u32 v4, $0xF423F;
	v2 =	vnsel vm14, $0x0, v2;
	vm15 =	vgt.s32 v1, $0x0  }
0x57: {  	vm1 =	vgt.s32 v3, $0x0;
	[tilespmem:s1+$0xFFFFFFD0] =	vst v4;
	v2 =	vmin.u32 v2, $0xF423F;
	v1 =	vnsel vm15, $0x0, v1  }
0x58: {  	v3 =	vnsel vm1, $0x0, v3;
	[tilespmem:s1+$0xFFFFFFE0] =	vst v2;
	v1 =	vmin.u32 v1, $0xF423F  }
0x59: {  	v2 =	vmin.u32 v3, $0xF423F;
	[tilespmem:s1+$0xFFFFFFF0] =	vst v1  }
0x5a: {  	[tilespmem:s1+$0xFFFFFF90] =	vst v2  }
.LBB2_6:
0x5b: {  	v1 =	vld [tilespmem:s29+$0x0];
	_ =	sdelay $0x1  }
0x5c: {  	s28 =	sadd.s32 $0x10, s28  }
0x5d: {  	p0 =	slt.u32 s28, $0x63F0  }
.Ltmp4:
0x5e: {  	_ = 	snop;
	(pc) =	sbr.rel @p0 .LBB2_6-.Ltmp4, $4  }
0x5f: {  	vm0 =	vgt.s32 v1, $0x0  }
0x60: {  	v1 =	vnsel vm0, $0x0, v1  }
0x61: {  	v1 =	vmin.u32 v1, $0xF423F  }
0x62: {  	s26 =	simm.s32 $0x0;
	[tilespmem:s29+$0x0] =	vst v1;
	s29 =	sadd.s32 $0x10, s29  }
0x63: {  	s28 =	simm.s32 $0x0  }
.LBB2_8:
0x64: {  	_ =	swait.ge [sflag:s19], $0x3200  }
0x65: {  	p0 =	seq.s32 s28, $0x0;
	[sflag:s19] =	ssyncset.done $0x0  }
0x66: {  	s0 =	simm.s32 @!p0 $0x3;
	[sflag:s19] =	ssyncadd.s32 $0xFFFFCE00  }
0x67: {  	_ =	swait.ge @!p0 [sflag:s0], $0x3200  }
0x68: {  	[sflag:s0] =	ssyncset.done @!p0 $0x0  }
0x69: {  	s31 =	simm.s32 $0x6500;
	s14 =	simm.s32 $0x7;
	[sflag:s0] =	ssyncadd.s32 @!p0 $0xFFFFCE00  }
0x6a: {  	s1 =	simm.s32 $0x1;
	v2 =	vadd.s32 s14, v0;
	v1 =	vld [tilespmem:s31+$0xC0]  }
0x6b: {  	v4 =	vadd.s32 s1, v0;
	s1 =	simm.s32 $0x2;
	v3 =	vld [tilespmem:s31+$0xFFFFFF40]  }
0x6c: {  	s14 =	simm.s32 $0x3;
	v6 =	vadd.s32 s1, v0;
	v5 =	vld [tilespmem:s31+$0xFFFFFF80]  }
0x6d: {  	v8 =	vadd.s32 s14, v0;
	s1 =	simm.s32 $0x4;
	v7 =	vld [tilespmem:s31+$0xFFFFFFC0]  }
0x6e: {  	s14 =	simm.s32 $0x5;
	v10 =	vadd.s32 s1, v0;
	v9 =	vld [tilespmem:s31+$0x0]  }
0x6f: {  	v12 =	vadd.s32 s14, v0;
	s14 =	simm.s32 $0x6;
	v11 =	vld [tilespmem:s31+$0x40];
	[tilespmem:v2+s20+$0x0] =	vst.idx.msk $0xffff, v1  }
0x70: {  	[tilespmem:v4+s20+$0x0] =	vst.idx.msk $0xffff, v3;
	v3 =	vld [tilespmem:s31+$0x80];
	v4 =	vadd.s32 s14, v0  }
0x71: {  	s1 =	simm.s32 $0xC87;
	[tilespmem:v6+s20+$0x0] =	vst.idx.msk $0xffff, v5;
	v5 =	vld [tilespmem:s31+$0xFFFFFF00];
	v6 =	vadd.s32 s26, v0  }
0x72: {  	v2 =	vadd.s32 s1, v0;
	s14 =	simm.s32 $0xC81;
	[tilespmem:v8+s20+$0x0] =	vst.idx.msk $0xffff, v7;
	v1 =	vld [tilespmem:s31+$0xD0]  }
0x73: {  	s1 =	simm.s32 $0xC82;
	[tilespmem:v10+s20+$0x0] =	vst.idx.msk $0xffff, v9;
	v7 =	vld [tilespmem:s31+$0xFFFFFF50];
	v8 =	vadd.s32 s14, v0  }
0x74: {  	[tilespmem:v12+s20+$0x0] =	vst.idx.msk $0xffff, v11;
	v9 =	vld [tilespmem:s31+$0xFFFFFF90];
	v10 =	vadd.s32 s1, v0;
	s14 =	simm.s32 $0xC83  }
0x75: {  	v11 =	vld [tilespmem:s31+$0xFFFFFFD0];
	v61 =	vadd.s32 s14, v0;
	s14 =	simm.s32 $0xC84;
	[tilespmem:v4+s20+$0x0] =	vst.idx.msk $0xffff, v3  }
0x76: {  	[tilespmem:v6+s20+$0x0] =	vst.idx.msk $0xffff, v5;
	v3 =	vld [tilespmem:s31+$0x10];
	v4 =	vadd.s32 s14, v0;
	s14 =	simm.s32 $0xC85  }
0x77: {  	s1 =	simm.s32 $0x1907;
	v5 =	vld [tilespmem:s31+$0x50];
	[tilespmem:v2+s20+$0x0] =	vst.idx.msk $0xffff, v1;
	v6 =	vadd.s32 s14, v0  }
0x78: {  	v2 =	vadd.s32 s1, v0;
	[tilespmem:v8+s20+$0x0] =	vst.idx.msk $0xffff, v7;
	s14 =	simm.s32 $0xC80;
	v1 =	vld [tilespmem:s31+$0xE0]  }
0x79: {  	s1 =	simm.s32 $0xC86;
	[tilespmem:v10+s20+$0x0] =	vst.idx.msk $0xffff, v9;
	v9 =	vld [tilespmem:s31+$0xFFFFFF10];
	v10 =	vadd.s32 s14, v0  }
0x7a: {  	v7 =	vld [tilespmem:s31+$0x90];
	v8 =	vadd.s32 s1, v0;
	s14 =	simm.s32 $0x1901;
	[tilespmem:v61+s20+$0x0] =	vst.idx.msk $0xffff, v11  }
0x7b: {  	v11 =	vld [tilespmem:s31+$0xFFFFFF60];
	v62 =	vadd.s32 s14, v0;
	s14 =	simm.s32 $0x1902;
	[tilespmem:v4+s20+$0x0] =	vst.idx.msk $0xffff, v3  }
0x7c: {  	v3 =	vld [tilespmem:s31+$0xFFFFFFA0];
	v4 =	vadd.s32 s14, v0;
	s14 =	simm.s32 $0x1903;
	[tilespmem:v6+s20+$0x0] =	vst.idx.msk $0xffff, v5  }
0x7d: {  	v5 =	vld [tilespmem:s31+$0xFFFFFFE0];
	v6 =	vadd.s32 s14, v0;
	s14 =	simm.s32 $0x1905;
	[tilespmem:v2+s20+$0x0] =	vst.idx.msk $0xffff, v1  }
0x7e: {  	s1 =	simm.s32 $0x2587;
	[tilespmem:v10+s20+$0x0] =	vst.idx.msk $0xffff, v9;
	v9 =	vld [tilespmem:s31+$0x60];
	v10 =	vadd.s32 s14, v0  }
0x7f: {  	v2 =	vadd.s32 s1, v0;
	s1 =	simm.s32 $0x1904;
	[tilespmem:v8+s20+$0x0] =	vst.idx.msk $0xffff, v7;
	v1 =	vld [tilespmem:s31+$0xF0]  }
0x80: {  	v7 =	vld [tilespmem:s31+$0x20];
	s14 =	simm.s32 $0x1900;
	v8 =	vadd.s32 s1, v0;
	[tilespmem:v62+s20+$0x0] =	vst.idx.msk $0xffff, v11  }
0x81: {  	s1 =	simm.s32 $0x1906;
	v13 =	vld [tilespmem:s31+$0xFFFFFF20];
	v14 =	vadd.s32 s14, v0;
	[tilespmem:v4+s20+$0x0] =	vst.idx.msk $0xffff, v3  }
0x82: {  	v11 =	vld [tilespmem:s31+$0xA0];
	v63 =	vadd.s32 s1, v0;
	s1 =	simm.s32 $0x2581;
	[tilespmem:v6+s20+$0x0] =	vst.idx.msk $0xffff, v5  }
0x83: {  	s14 =	simm.s32 $0x2582;
	v15 =	vld [tilespmem:s31+$0xFFFFFF70];
	v16 =	vadd.s32 s1, v0;
	[tilespmem:v10+s20+$0x0] =	vst.idx.msk $0xffff, v9  }
0x84: {  	v18 =	vadd.s32 s14, v0;
	s14 =	simm.s32 $0x2583;
	s1 =	sshll.u32 s28, $0x1;
	v17 =	vld [tilespmem:s31+$0xFFFFFFB0];
	[tilespmem:v2+s20+$0x0] =	vst.idx.msk $0xffff, v1  }
0x85: {  	v4 =	vadd.s32 s14, v0;
	s29 =	sadd.s32 s6, s1;
	s1 =	simm.s32 $0x2584;
	[tilespmem:v8+s20+$0x0] =	vst.idx.msk $0xffff, v7;
	v1 =	vld [tilespmem:s31+$0xFFFFFFF0]  }
0x86: {  	s14 =	simm.s32 $0x2585;
	[tilespmem:v14+s20+$0x0] =	vst.idx.msk $0xffff, v13;
	v8 =	vadd.s32 s1, v0;
	v2 =	vld [tilespmem:s31+$0x30]  }
0x87: {  	v5 =	vadd.s32 s14, v0;
	v3 =	vld [tilespmem:s31+$0x70];
	s1 =	simm.s32 $0x2586;
	[tilespmem:v63+s20+$0x0] =	vst.idx.msk $0xffff, v11  }
0x88: {  	s30 =	simm.s32 $0x8;
	s14 =	simm.s32 $0x2580;
	v9 =	vadd.s32 s1, v0;
	[tilespmem:v16+s20+$0x0] =	vst.idx.msk $0xffff, v15;
	v6 =	vld [tilespmem:s31+$0xB0]  }
0x89: {  	s0 =	simm.s32 $0xF;
	v10 =	vadd.s32 s14, v0;
	s1 =	simm.s32 $0x10;
	v7 =	vld [tilespmem:s31+$0xFFFFFF30];
	s31 =	simm.s32 $0x6700;
	[tilespmem:v18+s20+$0x0] =	vst.idx.msk $0xffff, v17  }
.LBB2_9:
0x8a: {  	p1 =	slt.u32 s1, $0xC0;
	s14 =	sadd.s32 $0x1, s30;
	v11 =	vld [tilespmem:s31+$0xC0];
	v12 =	vadd.s32 s0, v0;
	[tilespmem:v4+s20+$0x0] =	vst.idx.msk $0xffff, v1  }
0x8b: {  	s0 =	sadd.s32 $0x2, s30;
	v1 =	vld [tilespmem:s31+$0xFFFFFF40];
	v4 =	vadd.s32 s14, v0;
	[tilespmem:v8+s20+$0x0] =	vst.idx.msk $0xffff, v2  }
0x8c: {  	v8 =	vadd.s32 s0, v0;
	s0 =	sadd.s32 $0x3, s30;
	v2 =	vld [tilespmem:s31+$0xFFFFFF80];
	[tilespmem:v5+s20+$0x0] =	vst.idx.msk $0xffff, v3  }
0x8d: {  	v5 =	vadd.s32 s0, v0;
	s0 =	sadd.s32 $0x4, s30;
	v3 =	vld [tilespmem:s31+$0xFFFFFFC0];
	[tilespmem:v9+s20+$0x0] =	vst.idx.msk $0xffff, v6  }
0x8e: {  	v9 =	vadd.s32 s0, v0;
	s0 =	sadd.s32 $0x5, s30;
	v6 =	vld [tilespmem:s31+$0x0];
	[tilespmem:v10+s20+$0x0] =	vst.idx.msk $0xffff, v7  }
0x8f: {  	v10 =	vadd.s32 s0, v0;
	s0 =	sadd.s32 $0xC87, s30;
	v7 =	vld [tilespmem:s31+$0x40];
	[tilespmem:v12+s20+$0x0] =	vst.idx.msk $0xffff, v11  }
0x90: {  	s14 =	sadd.s32 $0x6, s30;
	[tilespmem:v4+s20+$0x0] =	vst.idx.msk $0xffff, v1;
	v1 =	vld [tilespmem:s31+$0xD0];
	v4 =	vadd.s32 s0, v0  }
0x91: {  	[tilespmem:v8+s20+$0x0] =	vst.idx.msk $0xffff, v2;
	v2 =	vld [tilespmem:s31+$0x80];
	v8 =	vadd.s32 s14, v0  }
0x92: {  	v12 =	vadd.s32 s30, v0;
	s0 =	sadd.s32 $0xC81, s30;
	v11 =	vld [tilespmem:s31+$0xFFFFFF00];
	[tilespmem:v5+s20+$0x0] =	vst.idx.msk $0xffff, v3  }
0x93: {  	v5 =	vadd.s32 s0, v0;
	s0 =	sadd.s32 $0xC82, s30;
	v3 =	vld [tilespmem:s31+$0xFFFFFF50];
	[tilespmem:v9+s20+$0x0] =	vst.idx.msk $0xffff, v6  }
0x94: {  	v9 =	vadd.s32 s0, v0;
	s0 =	sadd.s32 $0xC83, s30;
	v6 =	vld [tilespmem:s31+$0xFFFFFF90];
	[tilespmem:v10+s20+$0x0] =	vst.idx.msk $0xffff, v7  }
0x95: {  	v10 =	vadd.s32 s0, v0;
	s0 =	sadd.s32 $0x1907, s30;
	v7 =	vld [tilespmem:s31+$0xFFFFFFD0];
	[tilespmem:v4+s20+$0x0] =	vst.idx.msk $0xffff, v1  }
0x96: {  	s14 =	sadd.s32 $0xC84, s30;
	[tilespmem:v8+s20+$0x0] =	vst.idx.msk $0xffff, v2;
	v1 =	vld [tilespmem:s31+$0xE0];
	v2 =	vadd.s32 s0, v0  }
0x97: {  	v8 =	vadd.s32 s14, v0;
	s0 =	sadd.s32 $0xC85, s30;
	[tilespmem:v12+s20+$0x0] =	vst.idx.msk $0xffff, v11;
	v4 =	vld [tilespmem:s31+$0x10]  }
0x98: {  	[tilespmem:v5+s20+$0x0] =	vst.idx.msk $0xffff, v3;
	v3 =	vld [tilespmem:s31+$0x50];
	v5 =	vadd.s32 s0, v0;
	s0 =	sadd.s32 $0xC86, s30  }
0x99: {  	s14 =	sadd.s32 $0xC80, s30;
	[tilespmem:v9+s20+$0x0] =	vst.idx.msk $0xffff, v6;
	v6 =	vld [tilespmem:s31+$0x90];
	v9 =	vadd.s32 s0, v0  }
0x9a: {  	v12 =	vadd.s32 s14, v0;
	s0 =	sadd.s32 $0x1901, s30;
	v11 =	vld [tilespmem:s31+$0xFFFFFF10];
	[tilespmem:v10+s20+$0x0] =	vst.idx.msk $0xffff, v7  }
0x9b: {  	v10 =	vadd.s32 s0, v0;
	s0 =	sadd.s32 $0x2587, s30;
	v7 =	vld [tilespmem:s31+$0xFFFFFF60];
	[tilespmem:v2+s20+$0x0] =	vst.idx.msk $0xffff, v1  }
0x9c: {  	s14 =	sadd.s32 $0x1902, s30;
	v2 =	vadd.s32 s0, v0;
	[tilespmem:v8+s20+$0x0] =	vst.idx.msk $0xffff, v4;
	v1 =	vld [tilespmem:s31+$0xF0]  }
0x9d: {  	s0 =	sadd.s32 $0x1903, s30;
	v8 =	vadd.s32 s14, v0;
	v4 =	vld [tilespmem:s31+$0xFFFFFFA0];
	[tilespmem:v5+s20+$0x0] =	vst.idx.msk $0xffff, v3  }
0x9e: {  	v5 =	vadd.s32 s0, v0;
	s0 =	sadd.s32 $0x1904, s30;
	v3 =	vld [tilespmem:s31+$0xFFFFFFE0];
	[tilespmem:v9+s20+$0x0] =	vst.idx.msk $0xffff, v6  }
0x9f: {  	v9 =	vadd.s32 s0, v0;
	s0 =	sadd.s32 $0x1905, s30;
	[tilespmem:v12+s20+$0x0] =	vst.idx.msk $0xffff, v11;
	v6 =	vld [tilespmem:s31+$0x20]  }
0xa0: {  	[tilespmem:v10+s20+$0x0] =	vst.idx.msk $0xffff, v7;
	v7 =	vld [tilespmem:s31+$0x60];
	v10 =	vadd.s32 s0, v0;
	s0 =	sadd.s32 $0x1906, s30  }
0xa1: {  	s14 =	sadd.s32 $0x1900, s30;
	v11 =	vld [tilespmem:s31+$0xA0];
	v12 =	vadd.s32 s0, v0;
	[tilespmem:v2+s20+$0x0] =	vst.idx.msk $0xffff, v1  }
0xa2: {  	v14 =	vadd.s32 s14, v0;
	s0 =	sadd.s32 $0x2581, s30;
	v13 =	vld [tilespmem:s31+$0xFFFFFF20];
	[tilespmem:v8+s20+$0x0] =	vst.idx.msk $0xffff, v4  }
0xa3: {  	v16 =	vadd.s32 s0, v0;
	s0 =	sadd.s32 $0x2582, s30;
	v15 =	vld [tilespmem:s31+$0xFFFFFF70];
	[tilespmem:v5+s20+$0x0] =	vst.idx.msk $0xffff, v3  }
0xa4: {  	v18 =	vadd.s32 s0, v0;
	s0 =	sadd.s32 $0x2583, s30;
	v17 =	vld [tilespmem:s31+$0xFFFFFFB0];
	[tilespmem:v9+s20+$0x0] =	vst.idx.msk $0xffff, v6  }
.Ltmp5:
0xa5: {  	v4 =	vadd.s32 s0, v0;
	s0 =	sadd.s32 $0x2584, s30;
	v1 =	vld [tilespmem:s31+$0xFFFFFFF0];
	[tilespmem:v10+s20+$0x0] =	vst.idx.msk $0xffff, v7;
	(pc) =	sbr.rel @p1 .LBB2_9-.Ltmp5, $4  }
0xa6: {  	v8 =	vadd.s32 s0, v0;
	s0 =	sadd.s32 $0x2585, s30;
	v2 =	vld [tilespmem:s31+$0x30];
	[tilespmem:v12+s20+$0x0] =	vst.idx.msk $0xffff, v11  }
0xa7: {  	v5 =	vadd.s32 s0, v0;
	s0 =	sadd.s32 $0x2586, s30;
	[tilespmem:v14+s20+$0x0] =	vst.idx.msk $0xffff, v13;
	v3 =	vld [tilespmem:s31+$0x70]  }
0xa8: {  	s14 =	sadd.s32 $0x2580, s30;
	s30 =	smov.u32 s1;
	v9 =	vadd.s32 s0, v0;
	[tilespmem:v16+s20+$0x0] =	vst.idx.msk $0xffff, v15;
	v6 =	vld [tilespmem:s31+$0xB0]  }
0xa9: {  	v10 =	vadd.s32 s14, v0;
	s1 =	sadd.s32 $0x8, s1;
	s0 =	sadd.s32 $0x7, s30;
	v7 =	vld [tilespmem:s31+$0xFFFFFF30];
	[tilespmem:v18+s20+$0x0] =	vst.idx.msk $0xffff, v17;
	s31 =	sadd.s32 $0x200, s31  }
0xaa: {  	_ =	sdelay $0x3  }
0xab: {  	v11 =	vld [tilespmem:s31+$0xC0];
	v12 =	vadd.s32 s0, v0;
	[tilespmem:v4+s20+$0x0] =	vst.idx.msk $0xffff, v1  }
0xac: {  	s1 =	sadd.s32 $0x1, s30;
	v29 =	vld [tilespmem:s31+$0xFFFFFF00];
	v30 =	vadd.s32 s30, v0;
	[tilespmem:v8+s20+$0x0] =	vst.idx.msk $0xffff, v2  }
0xad: {  	v1 =	vld [tilespmem:s31+$0xFFFFFF40];
	v20 =	vadd.s32 s1, v0;
	s1 =	sadd.s32 $0x2, s30;
	[tilespmem:v5+s20+$0x0] =	vst.idx.msk $0xffff, v3  }
0xae: {  	s14 =	sadd.s32 $0x3, s30;
	v2 =	vld [tilespmem:s31+$0xFFFFFF80];
	v21 =	vadd.s32 s1, v0;
	[tilespmem:v9+s20+$0x0] =	vst.idx.msk $0xffff, v6  }
0xaf: {  	v22 =	vadd.s32 s14, v0;
	s14 =	sadd.s32 $0x5, s30;
	v3 =	vld [tilespmem:s31+$0xFFFFFFC0];
	[tilespmem:v10+s20+$0x0] =	vst.idx.msk $0xffff, v7  }
0xb0: {  	v25 =	vld [tilespmem:s31+$0x40];
	s1 =	sadd.s32 $0x4, s30;
	v26 =	vadd.s32 s14, v0;
	[tilespmem:v12+s20+$0x0] =	vst.idx.msk $0xffff, v11  }
0xb1: {  	v23 =	vld [tilespmem:s31+$0x0];
	s14 =	sadd.s32 $0x6, s30;
	v24 =	vadd.s32 s1, v0;
	s1 =	sadd.s32 $0xC87, s30;
	[tilespmem:v30+s20+$0x0] =	vst.idx.msk $0xffff, v29  }
0xb2: {  	v28 =	vadd.s32 s14, v0;
	s14 =	sadd.s32 $0xC81, s30;
	v27 =	vadd.s32 s1, v0;
	[tilespmem:v20+s20+$0x0] =	vst.idx.msk $0xffff, v1;
	v1 =	vld [tilespmem:s31+$0xD0]  }
0xb3: {  	v31 =	vadd.s32 s14, v0;
	s14 =	sadd.s32 $0xC83, s30;
	[tilespmem:v21+s20+$0x0] =	vst.idx.msk $0xffff, v2;
	v2 =	vld [tilespmem:s31+$0x80]  }
0xb4: {  	s1 =	sadd.s32 $0xC82, s30;
	v35 =	vadd.s32 s14, v0;
	s14 =	sadd.s32 $0xC84, s30;
	[tilespmem:v22+s20+$0x0] =	vst.idx.msk $0xffff, v3;
	v3 =	vld [tilespmem:s31+$0xFFFFFF50]  }
0xb5: {  	v33 =	vadd.s32 s1, v0;
	v37 =	vadd.s32 s14, v0;
	s14 =	sadd.s32 $0xC85, s30;
	[tilespmem:v26+s20+$0x0] =	vst.idx.msk $0xffff, v25;
	v32 =	vld [tilespmem:s31+$0xFFFFFF90]  }
0xb6: {  	v38 =	vadd.s32 s14, v0;
	s14 =	sadd.s32 $0xC80, s30;
	[tilespmem:v24+s20+$0x0] =	vst.idx.msk $0xffff, v23;
	v34 =	vld [tilespmem:s31+$0xFFFFFFD0]  }
0xb7: {  	s1 =	sadd.s32 $0x1907, s30;
	v11 =	vld [tilespmem:s31+$0xFFFFFF10];
	v41 =	vadd.s32 s14, v0;
	[tilespmem:v27+s20+$0x0] =	vst.idx.msk $0xffff, v1  }
0xb8: {  	[tilespmem:v28+s20+$0x0] =	vst.idx.msk $0xffff, v2;
	v1 =	vld [tilespmem:s31+$0xE0];
	v2 =	vadd.s32 s1, v0  }
0xb9: {  	[tilespmem:v31+s20+$0x0] =	vst.idx.msk $0xffff, v3;
	v3 =	vld [tilespmem:s31+$0x50]  }
0xba: {  	v36 =	vld [tilespmem:s31+$0x10];
	s1 =	sadd.s32 $0xC86, s30;
	[tilespmem:v33+s20+$0x0] =	vst.idx.msk $0xffff, v32  }
0xbb: {  	s14 =	sadd.s32 $0x1901, s30;
	v39 =	vld [tilespmem:s31+$0x90];
	v40 =	vadd.s32 s1, v0;
	[tilespmem:v35+s20+$0x0] =	vst.idx.msk $0xffff, v34  }
0xbc: {  	v43 =	vadd.s32 s14, v0;
	s14 =	sadd.s32 $0x1902, s30;
	v42 =	vld [tilespmem:s31+$0xFFFFFF60];
	[tilespmem:v41+s20+$0x0] =	vst.idx.msk $0xffff, v11  }
0xbd: {  	v45 =	vadd.s32 s14, v0;
	s14 =	sadd.s32 $0x1903, s30;
	v44 =	vld [tilespmem:s31+$0xFFFFFFA0];
	[tilespmem:v2+s20+$0x0] =	vst.idx.msk $0xffff, v1  }
0xbe: {  	v46 =	vadd.s32 s14, v0;
	s1 =	sadd.s32 $0x2587, s30;
	[tilespmem:v38+s20+$0x0] =	vst.idx.msk $0xffff, v3;
	v3 =	vld [tilespmem:s31+$0xFFFFFFE0]  }
0xbf: {  	[tilespmem:v37+s20+$0x0] =	vst.idx.msk $0xffff, v36;
	v2 =	vadd.s32 s1, v0;
	s1 =	sadd.s32 $0x1904, s30;
	v1 =	vld [tilespmem:s31+$0xF0]  }
0xc0: {  	s14 =	sadd.s32 $0x1905, s30;
	v47 =	vld [tilespmem:s31+$0x20];
	[tilespmem:v40+s20+$0x0] =	vst.idx.msk $0xffff, v39;
	v48 =	vadd.s32 s1, v0  }
0xc1: {  	v50 =	vadd.s32 s14, v0;
	[tilespmem:v43+s20+$0x0] =	vst.idx.msk $0xffff, v42;
	v49 =	vld [tilespmem:s31+$0x60];
	s1 =	sadd.s32 $0x1906, s30  }
0xc2: {  	v51 =	vld [tilespmem:s31+$0xA0];
	v52 =	vadd.s32 s1, v0;
	s1 =	sadd.s32 $0x2581, s30;
	[tilespmem:v45+s20+$0x0] =	vst.idx.msk $0xffff, v44  }
0xc3: {  	s14 =	sadd.s32 $0x1900, s30;
	v53 =	vld [tilespmem:s31+$0xFFFFFF70];
	v54 =	vadd.s32 s1, v0;
	[tilespmem:v46+s20+$0x0] =	vst.idx.msk $0xffff, v3  }
0xc4: {  	s1 =	sadd.s32 $0x2583, s30;
	[tilespmem:v2+s20+$0x0] =	vst.idx.msk $0xffff, v1;
	v1 =	vld [tilespmem:s31+$0xFFFFFF20];
	v2 =	vadd.s32 s14, v0  }
0xc5: {  	v57 =	vadd.s32 s1, v0;
	s14 =	sadd.s32 $0x2582, s30;
	[tilespmem:v48+s20+$0x0] =	vst.idx.msk $0xffff, v47;
	v56 =	vld [tilespmem:s31+$0xFFFFFFF0]  }
0xc6: {  	v3 =	vld [tilespmem:s31+$0xFFFFFFB0];
	[tilespmem:v50+s20+$0x0] =	vst.idx.msk $0xffff, v49;
	v55 =	vadd.s32 s14, v0;
	s14 =	sadd.s32 $0x2584, s30  }
0xc7: {  	v58 =	vld [tilespmem:s31+$0x30];
	[tilespmem:v52+s20+$0x0] =	vst.idx.msk $0xffff, v51;
	v59 =	vadd.s32 s14, v0;
	s14 =	sadd.s32 $0x2586, s30  }
0xc8: {  	s1 =	sadd.s32 $0x2585, s30;
	[tilespmem:v54+s20+$0x0] =	vst.idx.msk $0xffff, v53;
	v60 =	vld [tilespmem:s31+$0xB0];
	v61 =	vadd.s32 s14, v0  }
0xc9: {  	s30 =	sadd.s32 $0x2580, s30;
	[tilespmem:v2+s20+$0x0] =	vst.idx.msk $0xffff, v1;
	v1 =	vld [tilespmem:s31+$0x70];
	v2 =	vadd.s32 s1, v0  }
0xca: {  	v63 =	vadd.s32 s30, v0;
	[tilespmem:v57+s20+$0x0] =	vst.idx.msk $0xffff, v56;
	v62 =	vld [tilespmem:s31+$0xFFFFFF30]  }
0xcb: {  	p1 =	sne.s32 s28, $0x3F;
	[tilespmem:v55+s20+$0x0] =	vst.idx.msk $0xffff, v3  }
.Ltmp6:
0xcc: {  	[tilespmem:v59+s20+$0x0] =	vst.idx.msk $0xffff, v58;
	(pc) =	sbr.rel @p1 .LBB2_12-.Ltmp6, $4  }
0xcd: {  	s31 =	smul.u32 $0x640, s29;
	[tilespmem:v61+s20+$0x0] =	vst.idx.msk $0xffff, v60  }
0xce: {  	[tilespmem:v2+s20+$0x0] =	vst.idx.msk $0xffff, v1  }
0xcf: {  	s0 =	sadd.s32 s2, s31;
	[tilespmem:v63+s20+$0x0] =	vst.idx.msk $0xffff, v62  }
0xd0: {  	[hbm4b:s0+s3] =	stream.linear.scatter [tilespmem:s20], [sflag:$0x3], $0x3200, $0x38;
	[tilespmem:$0x12C00] =	vst v63  }
.Ltmp7:
0xd1: {  	(pc) =	sbr.rel .LBB2_13-.Ltmp7, $4  }
0xd2: {  	_ = 	snop  }
0xd3: {  	_ =	swait.ge [sflag:s21], $0x3200  }
0xd4: {  	[sflag:s21] =	ssyncset.done $0x0  }
0xd5: {  	[sflag:s21] =	ssyncadd.s32 $0xFFFFCE00  }
.LBB2_12:
0xd6: {  	s0 =	smul.u32 $0x640, s28;
	_ =	sdelay $0x1  }
0xd7: {  	s0 =	sshra.s32 s0, $0x2  }
0xd8: {  	s1 =	sadd.s32 $0x190, s0  }
0xd9: {  	[tilespmem:s11], [sflag:$0x1] =	stream.indirect.gather [hbm4b:s4+s10], $0x40, s1, s10, $0xb8;
	[tilespmem:$0x12C00] =	vst v63  }
.Ltmp8:
0xda: {  	s0 =	sadd.s32 $0x1F8, s0;
	(pc) =	sbr.rel @p0 .LBB2_14-.Ltmp8, $4  }
0xdb: {  	[tilespmem:s13], [sflag:$0x1] =	stream.indirect.gather [hbm4b:s4+s12], $0x40, s0, s12, $0xb8;
	[tilespmem:$0x12C00] =	vst v63  }
0xdc: {  	_ =	swait.ge [sflag:s21], $0x3200  }
0xdd: {  	[sflag:s21] =	ssyncset.done $0x0  }
0xde: {  	[sflag:s21] =	ssyncadd.s32 $0xFFFFCE00  }
.LBB2_13:
0xdf: {  	_ =	swait.ge [sflag:s22], $0x3200  }
0xe0: {  	[sflag:s22] =	ssyncset.done $0x0  }
0xe1: {  	[sflag:s22] =	ssyncadd.s32 $0xFFFFCE00  }
.LBB2_14:
0xe2: {  	s31 =	simm.s32 $0x9700;
	s0 =	simm.s32 $0x7  }
0xe3: {  	s1 =	simm.s32 $0x1;
	v1 =	vld [tilespmem:s31+$0xC0];
	v2 =	vadd.s32 s0, v0  }
0xe4: {  	s14 =	simm.s32 $0x2;
	v3 =	vld [tilespmem:s31+$0xFFFFFF40];
	v4 =	vadd.s32 s1, v0  }
0xe5: {  	v5 =	vld [tilespmem:s31+$0xFFFFFF80];
	v6 =	vadd.s32 s14, v0;
	s1 =	simm.s32 $0x3  }
0xe6: {  	v7 =	vld [tilespmem:s31+$0xFFFFFFC0];
	s14 =	simm.s32 $0x4;
	v8 =	vadd.s32 s1, v0  }
0xe7: {  	v9 =	vld [tilespmem:s31+$0x0];
	v10 =	vadd.s32 s14, v0;
	s1 =	simm.s32 $0x5  }
0xe8: {  	v11 =	vld [tilespmem:s31+$0x40];
	v12 =	vadd.s32 s1, v0;
	s1 =	simm.s32 $0x6;
	[tilespmem:v2+s23+$0x0] =	vst.idx.msk $0xffff, v1  }
0xe9: {  	s14 =	simm.s32 $0xC87;
	[tilespmem:v4+s23+$0x0] =	vst.idx.msk $0xffff, v3;
	v3 =	vld [tilespmem:s31+$0x80];
	v4 =	vadd.s32 s1, v0  }
0xea: {  	v2 =	vadd.s32 s14, v0;
	s14 =	simm.s32 $0x0;
	[tilespmem:v6+s23+$0x0] =	vst.idx.msk $0xffff, v5;
	v1 =	vld [tilespmem:s31+$0xD0]  }
0xeb: {  	v5 =	vld [tilespmem:s31+$0xFFFFFF00];
	s1 =	simm.s32 $0xC82;
	v6 =	vadd.s32 s14, v0;
	[tilespmem:v8+s23+$0x0] =	vst.idx.msk $0xffff, v7  }
0xec: {  	s14 =	simm.s32 $0xC81;
	[tilespmem:v10+s23+$0x0] =	vst.idx.msk $0xffff, v9;
	v9 =	vld [tilespmem:s31+$0xFFFFFF90];
	v10 =	vadd.s32 s1, v0  }
0xed: {  	v7 =	vld [tilespmem:s31+$0xFFFFFF50];
	v8 =	vadd.s32 s14, v0;
	s14 =	simm.s32 $0xC83;
	[tilespmem:v12+s23+$0x0] =	vst.idx.msk $0xffff, v11  }
0xee: {  	v11 =	vld [tilespmem:s31+$0xFFFFFFD0];
	v61 =	vadd.s32 s14, v0;
	s14 =	simm.s32 $0xC84;
	[tilespmem:v4+s23+$0x0] =	vst.idx.msk $0xffff, v3  }
0xef: {  	v3 =	vld [tilespmem:s31+$0x10];
	v4 =	vadd.s32 s14, v0;
	s14 =	simm.s32 $0xC85;
	[tilespmem:v2+s23+$0x0] =	vst.idx.msk $0xffff, v1  }
0xf0: {  	s1 =	simm.s32 $0x1907;
	[tilespmem:v6+s23+$0x0] =	vst.idx.msk $0xffff, v5;
	v5 =	vld [tilespmem:s31+$0x50];
	v6 =	vadd.s32 s14, v0  }
0xf1: {  	v2 =	vadd.s32 s1, v0;
	s14 =	simm.s32 $0xC80;
	[tilespmem:v10+s23+$0x0] =	vst.idx.msk $0xffff, v9;
	v1 =	vld [tilespmem:s31+$0xE0]  }
0xf2: {  	s1 =	simm.s32 $0xC86;
	[tilespmem:v8+s23+$0x0] =	vst.idx.msk $0xffff, v7;
	v9 =	vld [tilespmem:s31+$0xFFFFFF10];
	v10 =	vadd.s32 s14, v0  }
0xf3: {  	v7 =	vld [tilespmem:s31+$0x90];
	v8 =	vadd.s32 s1, v0;
	s14 =	simm.s32 $0x1901;
	[tilespmem:v61+s23+$0x0] =	vst.idx.msk $0xffff, v11  }
0xf4: {  	v11 =	vld [tilespmem:s31+$0xFFFFFF60];
	v62 =	vadd.s32 s14, v0;
	s14 =	simm.s32 $0x1902;
	[tilespmem:v4+s23+$0x0] =	vst.idx.msk $0xffff, v3  }
0xf5: {  	v3 =	vld [tilespmem:s31+$0xFFFFFFA0];
	v4 =	vadd.s32 s14, v0;
	s14 =	simm.s32 $0x1903;
	[tilespmem:v6+s23+$0x0] =	vst.idx.msk $0xffff, v5  }
0xf6: {  	v5 =	vld [tilespmem:s31+$0xFFFFFFE0];
	v6 =	vadd.s32 s14, v0;
	s14 =	simm.s32 $0x1905;
	[tilespmem:v2+s23+$0x0] =	vst.idx.msk $0xffff, v1  }
0xf7: {  	s1 =	simm.s32 $0x2587;
	[tilespmem:v10+s23+$0x0] =	vst.idx.msk $0xffff, v9;
	v9 =	vld [tilespmem:s31+$0x60];
	v10 =	vadd.s32 s14, v0  }
0xf8: {  	v2 =	vadd.s32 s1, v0;
	s1 =	simm.s32 $0x1904;
	[tilespmem:v8+s23+$0x0] =	vst.idx.msk $0xffff, v7;
	v1 =	vld [tilespmem:s31+$0xF0]  }
0xf9: {  	v7 =	vld [tilespmem:s31+$0x20];
	s14 =	simm.s32 $0x1900;
	v8 =	vadd.s32 s1, v0;
	[tilespmem:v62+s23+$0x0] =	vst.idx.msk $0xffff, v11  }
0xfa: {  	s1 =	simm.s32 $0x1906;
	v13 =	vld [tilespmem:s31+$0xFFFFFF20];
	v14 =	vadd.s32 s14, v0;
	[tilespmem:v4+s23+$0x0] =	vst.idx.msk $0xffff, v3  }
0xfb: {  	v11 =	vld [tilespmem:s31+$0xA0];
	s14 =	simm.s32 $0x2581;
	v63 =	vadd.s32 s1, v0;
	[tilespmem:v6+s23+$0x0] =	vst.idx.msk $0xffff, v5  }
0xfc: {  	v15 =	vld [tilespmem:s31+$0xFFFFFF70];
	v16 =	vadd.s32 s14, v0;
	s1 =	simm.s32 $0x2582;
	[tilespmem:v10+s23+$0x0] =	vst.idx.msk $0xffff, v9  }
0xfd: {  	s14 =	simm.s32 $0x2583;
	v18 =	vadd.s32 s1, v0;
	v17 =	vld [tilespmem:s31+$0xFFFFFFB0];
	[tilespmem:v2+s23+$0x0] =	vst.idx.msk $0xffff, v1  }
0xfe: {  	v4 =	vadd.s32 s14, v0;
	s1 =	simm.s32 $0x2584;
	[tilespmem:v8+s23+$0x0] =	vst.idx.msk $0xffff, v7;
	v2 =	vld [tilespmem:s31+$0xFFFFFFF0]  }
0xff: {  	s14 =	simm.s32 $0x2585;
	[tilespmem:v14+s23+$0x0] =	vst.idx.msk $0xffff, v13;
	v8 =	vadd.s32 s1, v0;
	v1 =	vld [tilespmem:s31+$0x30]  }
0x100: {  	v5 =	vadd.s32 s14, v0;
	v3 =	vld [tilespmem:s31+$0x70];
	s1 =	simm.s32 $0x2586;
	[tilespmem:v63+s23+$0x0] =	vst.idx.msk $0xffff, v11  }
0x101: {  	s30 =	simm.s32 $0x8;
	s14 =	simm.s32 $0x2580;
	[tilespmem:v16+s23+$0x0] =	vst.idx.msk $0xffff, v15;
	v9 =	vadd.s32 s1, v0;
	v6 =	vld [tilespmem:s31+$0xB0]  }
0x102: {  	s0 =	simm.s32 $0xF;
	v10 =	vadd.s32 s14, v0;
	s1 =	simm.s32 $0x10;
	v7 =	vld [tilespmem:s31+$0xFFFFFF30];
	s31 =	simm.s32 $0x9900;
	[tilespmem:v18+s23+$0x0] =	vst.idx.msk $0xffff, v17  }
.LBB2_15:
0x103: {  	p0 =	slt.u32 s1, $0xC0;
	s14 =	sadd.s32 $0x1, s30;
	v11 =	vld [tilespmem:s31+$0xC0];
	v12 =	vadd.s32 s0, v0;
	[tilespmem:v4+s23+$0x0] =	vst.idx.msk $0xffff, v2  }
0x104: {  	s0 =	sadd.s32 $0x2, s30;
	v2 =	vld [tilespmem:s31+$0xFFFFFF40];
	v4 =	vadd.s32 s14, v0;
	[tilespmem:v8+s23+$0x0] =	vst.idx.msk $0xffff, v1  }
0x105: {  	v8 =	vadd.s32 s0, v0;
	s0 =	sadd.s32 $0x3, s30;
	v1 =	vld [tilespmem:s31+$0xFFFFFF80];
	[tilespmem:v5+s23+$0x0] =	vst.idx.msk $0xffff, v3  }
0x106: {  	v5 =	vadd.s32 s0, v0;
	s0 =	sadd.s32 $0x4, s30;
	v3 =	vld [tilespmem:s31+$0xFFFFFFC0];
	[tilespmem:v9+s23+$0x0] =	vst.idx.msk $0xffff, v6  }
0x107: {  	v9 =	vadd.s32 s0, v0;
	s0 =	sadd.s32 $0x5, s30;
	v6 =	vld [tilespmem:s31+$0x0];
	[tilespmem:v10+s23+$0x0] =	vst.idx.msk $0xffff, v7  }
0x108: {  	v10 =	vadd.s32 s0, v0;
	s0 =	sadd.s32 $0xC87, s30;
	v7 =	vld [tilespmem:s31+$0x40];
	[tilespmem:v12+s23+$0x0] =	vst.idx.msk $0xffff, v11  }
0x109: {  	s14 =	sadd.s32 $0x6, s30;
	[tilespmem:v4+s23+$0x0] =	vst.idx.msk $0xffff, v2;
	v2 =	vld [tilespmem:s31+$0xD0];
	v4 =	vadd.s32 s0, v0  }
0x10a: {  	[tilespmem:v8+s23+$0x0] =	vst.idx.msk $0xffff, v1;
	v1 =	vld [tilespmem:s31+$0x80];
	v8 =	vadd.s32 s14, v0  }
0x10b: {  	v12 =	vadd.s32 s30, v0;
	s0 =	sadd.s32 $0xC81, s30;
	v11 =	vld [tilespmem:s31+$0xFFFFFF00];
	[tilespmem:v5+s23+$0x0] =	vst.idx.msk $0xffff, v3  }
0x10c: {  	v5 =	vadd.s32 s0, v0;
	s0 =	sadd.s32 $0xC82, s30;
	v3 =	vld [tilespmem:s31+$0xFFFFFF50];
	[tilespmem:v9+s23+$0x0] =	vst.idx.msk $0xffff, v6  }
0x10d: {  	v9 =	vadd.s32 s0, v0;
	s0 =	sadd.s32 $0xC83, s30;
	v6 =	vld [tilespmem:s31+$0xFFFFFF90];
	[tilespmem:v10+s23+$0x0] =	vst.idx.msk $0xffff, v7  }
0x10e: {  	v10 =	vadd.s32 s0, v0;
	s0 =	sadd.s32 $0x1907, s30;
	v7 =	vld [tilespmem:s31+$0xFFFFFFD0];
	[tilespmem:v4+s23+$0x0] =	vst.idx.msk $0xffff, v2  }
0x10f: {  	s14 =	sadd.s32 $0xC84, s30;
	v2 =	vadd.s32 s0, v0;
	[tilespmem:v8+s23+$0x0] =	vst.idx.msk $0xffff, v1;
	v1 =	vld [tilespmem:s31+$0xE0]  }
0x110: {  	s0 =	sadd.s32 $0xC85, s30;
	v8 =	vadd.s32 s14, v0;
	[tilespmem:v12+s23+$0x0] =	vst.idx.msk $0xffff, v11;
	v4 =	vld [tilespmem:s31+$0x10]  }
0x111: {  	[tilespmem:v5+s23+$0x0] =	vst.idx.msk $0xffff, v3;
	v3 =	vld [tilespmem:s31+$0x50];
	v5 =	vadd.s32 s0, v0;
	s0 =	sadd.s32 $0xC86, s30  }
0x112: {  	s14 =	sadd.s32 $0xC80, s30;
	[tilespmem:v9+s23+$0x0] =	vst.idx.msk $0xffff, v6;
	v6 =	vld [tilespmem:s31+$0x90];
	v9 =	vadd.s32 s0, v0  }
0x113: {  	v12 =	vadd.s32 s14, v0;
	s0 =	sadd.s32 $0x1901, s30;
	v11 =	vld [tilespmem:s31+$0xFFFFFF10];
	[tilespmem:v10+s23+$0x0] =	vst.idx.msk $0xffff, v7  }
0x114: {  	v10 =	vadd.s32 s0, v0;
	s0 =	sadd.s32 $0x2587, s30;
	v7 =	vld [tilespmem:s31+$0xFFFFFF60];
	[tilespmem:v2+s23+$0x0] =	vst.idx.msk $0xffff, v1  }
0x115: {  	s14 =	sadd.s32 $0x1902, s30;
	v2 =	vadd.s32 s0, v0;
	[tilespmem:v8+s23+$0x0] =	vst.idx.msk $0xffff, v4;
	v1 =	vld [tilespmem:s31+$0xF0]  }
0x116: {  	s0 =	sadd.s32 $0x1903, s30;
	v8 =	vadd.s32 s14, v0;
	v4 =	vld [tilespmem:s31+$0xFFFFFFA0];
	[tilespmem:v5+s23+$0x0] =	vst.idx.msk $0xffff, v3  }
0x117: {  	v5 =	vadd.s32 s0, v0;
	s0 =	sadd.s32 $0x1904, s30;
	v3 =	vld [tilespmem:s31+$0xFFFFFFE0];
	[tilespmem:v9+s23+$0x0] =	vst.idx.msk $0xffff, v6  }
0x118: {  	v9 =	vadd.s32 s0, v0;
	s0 =	sadd.s32 $0x1905, s30;
	[tilespmem:v12+s23+$0x0] =	vst.idx.msk $0xffff, v11;
	v6 =	vld [tilespmem:s31+$0x20]  }
0x119: {  	[tilespmem:v10+s23+$0x0] =	vst.idx.msk $0xffff, v7;
	v7 =	vld [tilespmem:s31+$0x60];
	v10 =	vadd.s32 s0, v0;
	s0 =	sadd.s32 $0x1906, s30  }
0x11a: {  	s14 =	sadd.s32 $0x1900, s30;
	v11 =	vld [tilespmem:s31+$0xA0];
	v12 =	vadd.s32 s0, v0;
	[tilespmem:v2+s23+$0x0] =	vst.idx.msk $0xffff, v1  }
0x11b: {  	v14 =	vadd.s32 s14, v0;
	s0 =	sadd.s32 $0x2581, s30;
	v13 =	vld [tilespmem:s31+$0xFFFFFF20];
	[tilespmem:v8+s23+$0x0] =	vst.idx.msk $0xffff, v4  }
0x11c: {  	v16 =	vadd.s32 s0, v0;
	s0 =	sadd.s32 $0x2582, s30;
	v15 =	vld [tilespmem:s31+$0xFFFFFF70];
	[tilespmem:v5+s23+$0x0] =	vst.idx.msk $0xffff, v3  }
0x11d: {  	v18 =	vadd.s32 s0, v0;
	s0 =	sadd.s32 $0x2583, s30;
	v17 =	vld [tilespmem:s31+$0xFFFFFFB0];
	[tilespmem:v9+s23+$0x0] =	vst.idx.msk $0xffff, v6  }
.Ltmp9:
0x11e: {  	v4 =	vadd.s32 s0, v0;
	s0 =	sadd.s32 $0x2584, s30;
	v2 =	vld [tilespmem:s31+$0xFFFFFFF0];
	[tilespmem:v10+s23+$0x0] =	vst.idx.msk $0xffff, v7;
	(pc) =	sbr.rel @p0 .LBB2_15-.Ltmp9, $4  }
0x11f: {  	v8 =	vadd.s32 s0, v0;
	s0 =	sadd.s32 $0x2585, s30;
	v1 =	vld [tilespmem:s31+$0x30];
	[tilespmem:v12+s23+$0x0] =	vst.idx.msk $0xffff, v11  }
0x120: {  	v5 =	vadd.s32 s0, v0;
	s0 =	sadd.s32 $0x2586, s30;
	[tilespmem:v14+s23+$0x0] =	vst.idx.msk $0xffff, v13;
	v3 =	vld [tilespmem:s31+$0x70]  }
0x121: {  	s14 =	sadd.s32 $0x2580, s30;
	s30 =	smov.u32 s1;
	v9 =	vadd.s32 s0, v0;
	[tilespmem:v16+s23+$0x0] =	vst.idx.msk $0xffff, v15;
	v6 =	vld [tilespmem:s31+$0xB0]  }
0x122: {  	v10 =	vadd.s32 s14, v0;
	s1 =	sadd.s32 $0x8, s1;
	s0 =	sadd.s32 $0x7, s30;
	v7 =	vld [tilespmem:s31+$0xFFFFFF30];
	[tilespmem:v18+s23+$0x0] =	vst.idx.msk $0xffff, v17;
	s31 =	sadd.s32 $0x200, s31  }
0x123: {  	_ =	sdelay $0x3  }
0x124: {  	v11 =	vld [tilespmem:s31+$0xC0];
	v12 =	vadd.s32 s0, v0;
	[tilespmem:v4+s23+$0x0] =	vst.idx.msk $0xffff, v2  }
0x125: {  	s1 =	sadd.s32 $0x1, s30;
	v29 =	vld [tilespmem:s31+$0xFFFFFF00];
	v30 =	vadd.s32 s30, v0;
	[tilespmem:v8+s23+$0x0] =	vst.idx.msk $0xffff, v1  }
0x126: {  	v2 =	vld [tilespmem:s31+$0xFFFFFF40];
	v20 =	vadd.s32 s1, v0;
	s1 =	sadd.s32 $0x2, s30;
	[tilespmem:v5+s23+$0x0] =	vst.idx.msk $0xffff, v3  }
0x127: {  	s14 =	sadd.s32 $0x3, s30;
	v1 =	vld [tilespmem:s31+$0xFFFFFF80];
	v21 =	vadd.s32 s1, v0;
	[tilespmem:v9+s23+$0x0] =	vst.idx.msk $0xffff, v6  }
0x128: {  	v22 =	vadd.s32 s14, v0;
	s14 =	sadd.s32 $0x5, s30;
	v3 =	vld [tilespmem:s31+$0xFFFFFFC0];
	[tilespmem:v10+s23+$0x0] =	vst.idx.msk $0xffff, v7  }
0x129: {  	v25 =	vld [tilespmem:s31+$0x40];
	s1 =	sadd.s32 $0x4, s30;
	v26 =	vadd.s32 s14, v0;
	[tilespmem:v12+s23+$0x0] =	vst.idx.msk $0xffff, v11  }
0x12a: {  	v23 =	vld [tilespmem:s31+$0x0];
	s14 =	sadd.s32 $0x6, s30;
	v24 =	vadd.s32 s1, v0;
	s1 =	sadd.s32 $0xC87, s30;
	[tilespmem:v30+s23+$0x0] =	vst.idx.msk $0xffff, v29  }
0x12b: {  	v28 =	vadd.s32 s14, v0;
	s14 =	sadd.s32 $0xC81, s30;
	v27 =	vadd.s32 s1, v0;
	[tilespmem:v20+s23+$0x0] =	vst.idx.msk $0xffff, v2;
	v2 =	vld [tilespmem:s31+$0xD0]  }
0x12c: {  	v31 =	vadd.s32 s14, v0;
	s14 =	sadd.s32 $0xC83, s30;
	[tilespmem:v21+s23+$0x0] =	vst.idx.msk $0xffff, v1;
	v1 =	vld [tilespmem:s31+$0x80]  }
0x12d: {  	s1 =	sadd.s32 $0xC82, s30;
	v35 =	vadd.s32 s14, v0;
	s14 =	sadd.s32 $0xC84, s30;
	[tilespmem:v22+s23+$0x0] =	vst.idx.msk $0xffff, v3;
	v3 =	vld [tilespmem:s31+$0xFFFFFF50]  }
0x12e: {  	v33 =	vadd.s32 s1, v0;
	v37 =	vadd.s32 s14, v0;
	s14 =	sadd.s32 $0xC85, s30;
	[tilespmem:v26+s23+$0x0] =	vst.idx.msk $0xffff, v25;
	v32 =	vld [tilespmem:s31+$0xFFFFFF90]  }
0x12f: {  	v38 =	vadd.s32 s14, v0;
	s14 =	sadd.s32 $0xC80, s30;
	[tilespmem:v24+s23+$0x0] =	vst.idx.msk $0xffff, v23;
	v34 =	vld [tilespmem:s31+$0xFFFFFFD0]  }
0x130: {  	s1 =	sadd.s32 $0x1907, s30;
	v11 =	vld [tilespmem:s31+$0xFFFFFF10];
	v41 =	vadd.s32 s14, v0;
	[tilespmem:v27+s23+$0x0] =	vst.idx.msk $0xffff, v2  }
0x131: {  	v2 =	vadd.s32 s1, v0;
	[tilespmem:v28+s23+$0x0] =	vst.idx.msk $0xffff, v1;
	v1 =	vld [tilespmem:s31+$0xE0]  }
0x132: {  	[tilespmem:v31+s23+$0x0] =	vst.idx.msk $0xffff, v3;
	v3 =	vld [tilespmem:s31+$0x50]  }
0x133: {  	v36 =	vld [tilespmem:s31+$0x10];
	s1 =	sadd.s32 $0xC86, s30;
	[tilespmem:v33+s23+$0x0] =	vst.idx.msk $0xffff, v32  }
0x134: {  	s14 =	sadd.s32 $0x1901, s30;
	v40 =	vadd.s32 s1, v0;
	v39 =	vld [tilespmem:s31+$0x90];
	[tilespmem:v35+s23+$0x0] =	vst.idx.msk $0xffff, v34  }
0x135: {  	v43 =	vadd.s32 s14, v0;
	s14 =	sadd.s32 $0x1902, s30;
	v42 =	vld [tilespmem:s31+$0xFFFFFF60];
	[tilespmem:v41+s23+$0x0] =	vst.idx.msk $0xffff, v11  }
0x136: {  	v45 =	vadd.s32 s14, v0;
	s14 =	sadd.s32 $0x1903, s30;
	v44 =	vld [tilespmem:s31+$0xFFFFFFA0];
	[tilespmem:v2+s23+$0x0] =	vst.idx.msk $0xffff, v1  }
0x137: {  	v46 =	vadd.s32 s14, v0;
	s1 =	sadd.s32 $0x2587, s30;
	[tilespmem:v38+s23+$0x0] =	vst.idx.msk $0xffff, v3;
	v3 =	vld [tilespmem:s31+$0xFFFFFFE0]  }
0x138: {  	[tilespmem:v37+s23+$0x0] =	vst.idx.msk $0xffff, v36;
	v2 =	vadd.s32 s1, v0;
	s1 =	sadd.s32 $0x1904, s30;
	v1 =	vld [tilespmem:s31+$0xF0]  }
0x139: {  	s14 =	sadd.s32 $0x1905, s30;
	v47 =	vld [tilespmem:s31+$0x20];
	[tilespmem:v40+s23+$0x0] =	vst.idx.msk $0xffff, v39;
	v48 =	vadd.s32 s1, v0  }
0x13a: {  	v50 =	vadd.s32 s14, v0;
	[tilespmem:v43+s23+$0x0] =	vst.idx.msk $0xffff, v42;
	v49 =	vld [tilespmem:s31+$0x60];
	s1 =	sadd.s32 $0x1906, s30  }
0x13b: {  	v51 =	vld [tilespmem:s31+$0xA0];
	v52 =	vadd.s32 s1, v0;
	s1 =	sadd.s32 $0x2581, s30;
	[tilespmem:v45+s23+$0x0] =	vst.idx.msk $0xffff, v44  }
0x13c: {  	s14 =	sadd.s32 $0x1900, s30;
	v53 =	vld [tilespmem:s31+$0xFFFFFF70];
	v54 =	vadd.s32 s1, v0;
	[tilespmem:v46+s23+$0x0] =	vst.idx.msk $0xffff, v3  }
0x13d: {  	s1 =	sadd.s32 $0x2583, s30;
	[tilespmem:v2+s23+$0x0] =	vst.idx.msk $0xffff, v1;
	v1 =	vld [tilespmem:s31+$0xFFFFFF20];
	v2 =	vadd.s32 s14, v0  }
0x13e: {  	v57 =	vadd.s32 s1, v0;
	s14 =	sadd.s32 $0x2582, s30;
	[tilespmem:v48+s23+$0x0] =	vst.idx.msk $0xffff, v47;
	v56 =	vld [tilespmem:s31+$0xFFFFFFF0]  }
0x13f: {  	v3 =	vld [tilespmem:s31+$0xFFFFFFB0];
	[tilespmem:v50+s23+$0x0] =	vst.idx.msk $0xffff, v49;
	v55 =	vadd.s32 s14, v0;
	s14 =	sadd.s32 $0x2584, s30  }
0x140: {  	v58 =	vld [tilespmem:s31+$0x30];
	[tilespmem:v52+s23+$0x0] =	vst.idx.msk $0xffff, v51;
	v59 =	vadd.s32 s14, v0;
	s14 =	sadd.s32 $0x2586, s30  }
0x141: {  	s1 =	sadd.s32 $0x2585, s30;
	[tilespmem:v54+s23+$0x0] =	vst.idx.msk $0xffff, v53;
	v60 =	vld [tilespmem:s31+$0xB0];
	v61 =	vadd.s32 s14, v0  }
0x142: {  	s30 =	sadd.s32 $0x2580, s30;
	[tilespmem:v2+s23+$0x0] =	vst.idx.msk $0xffff, v1;
	v1 =	vld [tilespmem:s31+$0x70];
	v2 =	vadd.s32 s1, v0  }
0x143: {  	v63 =	vadd.s32 s30, v0;
	[tilespmem:v57+s23+$0x0] =	vst.idx.msk $0xffff, v56;
	v62 =	vld [tilespmem:s31+$0xFFFFFF30]  }
0x144: {  	p0 =	seq.s32 s28, $0x3F;
	[tilespmem:v55+s23+$0x0] =	vst.idx.msk $0xffff, v3;
	s31 =	smul.u32 $0x3200, s29  }
.Ltmp10:
0x145: {  	[tilespmem:v59+s23+$0x0] =	vst.idx.msk $0xffff, v58;
	(pc) =	sbr.rel @p0 .LBB2_18-.Ltmp10, $4  }
0x146: {  	s0 =	sshrl.u32 s31, $0x3;
	[tilespmem:v61+s23+$0x0] =	vst.idx.msk $0xffff, v60  }
0x147: {  	s0 =	sadd.s32 s2, s0;
	[tilespmem:v2+s23+$0x0] =	vst.idx.msk $0xffff, v1  }
0x148: {  	s0 =	sadd.s32 $0x640, s0;
	[tilespmem:v63+s23+$0x0] =	vst.idx.msk $0xffff, v62  }
0x149: {  	[hbm4b:s0+s3] =	stream.linear.scatter [tilespmem:s23], [sflag:$0x4], $0x3200, $0x38;
	[tilespmem:$0x12C00] =	vst v63  }
0x14a: {  	s0 =	smul.u32 $0x640, s28;
	_ =	sdelay $0x1  }
.Ltmp11:
0x14b: {  	s0 =	sshra.s32 s0, $0x2;
	(pc) =	sbr.rel .LBB2_8-.Ltmp11, $4  }
0x14c: {  	s1 =	sadd.s32 $0x258, s0  }
0x14d: {  	[tilespmem:s15], [sflag:$0x2] =	stream.indirect.gather [hbm4b:s4+s10], $0x40, s1, s10, $0xb8;
	[tilespmem:$0x12C00] =	vst v63  }
0x14e: {  	s28 =	sadd.s32 $0x1, s28;
	s0 =	sadd.s32 $0x2C0, s0  }
0x14f: {  	[tilespmem:s17], [sflag:$0x2] =	stream.indirect.gather [hbm4b:s4+s12], $0x40, s0, s12, $0xb8;
	[tilespmem:$0x12C00] =	vst v63  }
.LBB2_19:
0x150: {  	_ =	sfence.sel $0x180000  }
0x151: {  	[bflag:$0x0] =	sbarrier.arrive $0xFFFF  }
0x152: {  	_ =	strace $0x90000047  }
0x153: {  	s0 =	stileid.u32;
	[bflag:$0x2] =	sbarrier.arrive $0xFFFF  }
0x154: {  	p0 =	sne.s32 s0, $0x0;
	s0 =	rddreg [dreg:$0x3]  }
0x155: {  	s0 =	sadd.s32 @!p0 $0x100000, s0  }
0x156: {  	[sflag:s0] =	ssyncadd.tile.s32 @!p0 $0x1;
	_ =	shalt  }
.Lfunc_end2:
_tile_overlayer_lowered:
.L_overlay_start_2:
0x157: {  	(tag) =	ssettag $0x2  }
0x158: {  	s0 =	rddreg [dreg:$0x0];
	s2 =	stileid.u32  }
0x159: {  	s1 =	rddreg [dreg:$0x1];
	p0 =	sne.s32 s2, $0x0  }
0x15a: {  	s3 =	rddreg [dreg:$0x2];
	[bflag:$0x3] =	sbarrier.arrive $0xFFFF;
	s2 =	simm.s32 @!p0 $0x1C05  }
0x15b: {  	[timem:s3], [sflag:s2] =	dma.local @!p0 [hbm:s0], s1  }
0x15c: {  	s0 =	simm.s32 @!p0 $0x5  }
0x15d: {  	_ =	swait.ge @!p0 [sflag:s0], s1  }
0x15e: {  	s1 =	ssub.s32 @!p0 $0x0, s1;
	[sflag:s0] =	ssyncset.done @!p0 $0x0  }
0x15f: {  	[sflag:s0] =	ssyncadd.s32 @!p0 s1  }
0x160: {  	[bflag:$0x3] =	sbarrier.arrive $0xFFFF  }
0x161: {  	_ =	shalt  }

</sc_bundles>
